<compile_context>
chip_gen: v7x
topology: tpu7x:2x2x1
jax: 0.10.2.dev20260603
libtpu: 0.0.44.dev20260713+nightly
codegen_flags: <defaults>
</compile_context>

<pallas_src>
import functools

import jax
import jax.numpy as jnp
from jax import lax
from jax.experimental import pallas as pl
from jax.experimental.pallas import tpu as pltpu
from jax.experimental.pallas import tpu_sc as plsc

D = 768
H = 3072
E = 8
K = 2

BLK_T = 256
HC = 2
HB = H // HC
CB = 256
INV_SQRT2 = 0.7071067811865476
HIGH = lax.Precision.HIGHEST


def _gelu(h):
    return 0.5 * h * (1.0 + lax.erf(h * INV_SQRT2))


def _router_body(x_ref, wg_ref, sp_ref, wc_ref, off_ref, aux_ref):
    x = x_ref[...]
    T = x.shape[0]
    T2 = K * T
    logits = jnp.dot(x, wg_ref[...], preferred_element_type=jnp.float32)
    m = jnp.max(logits, axis=-1, keepdims=True)
    ex = jnp.exp(logits - m)
    probs = ex / jnp.sum(ex, axis=-1, keepdims=True)
    iota = lax.broadcasted_iota(jnp.int32, probs.shape, 1)
    m0 = jnp.max(probs, axis=-1, keepdims=True)
    i0 = jnp.min(jnp.where(probs == m0, iota, E), axis=-1, keepdims=True)
    probs2 = jnp.where(iota == i0, -1.0, probs)
    m1 = jnp.max(probs2, axis=-1, keepdims=True)
    i1 = jnp.min(jnp.where(probs2 == m1, iota, E), axis=-1, keepdims=True)
    s = m0 + m1
    w0 = m0 / s
    w1 = m1 / s
    oh0 = (iota == i0).astype(jnp.float32)
    oh1 = (iota == i1).astype(jnp.float32)

    wc_ref[...] = jnp.where(iota == 0, w0, 0.0) + jnp.where(iota == 1, w1, 0.0)

    counts = jnp.sum(oh0 + oh1, axis=0, keepdims=True)
    p_i = jnp.sum(probs, axis=0, keepdims=True) / T
    aux_ref[0, 0] = E * jnp.sum((counts / T) * p_i)

    lane_r = lax.broadcasted_iota(jnp.int32, (E, E), 0)
    lane_c = lax.broadcasted_iota(jnp.int32, (E, E), 1)
    mtri = (lane_r < lane_c).astype(jnp.float32)
    offv = jnp.dot(counts, mtri, preferred_element_type=jnp.float32,
                   precision=HIGH)
    lane8 = lax.broadcasted_iota(jnp.int32, (1, E), 1)
    for e in range(E):
        off_ref[0, e] = jnp.sum(
            jnp.where(lane8 == e, offv, 0.0)).astype(jnp.int32)
    off_ref[0, E] = T2

    ohA = jnp.concatenate([oh0, oh1], axis=0)
    row_b = lax.broadcasted_iota(jnp.int32, (CB, CB), 0)
    col_b = lax.broadcasted_iota(jnp.int32, (CB, CB), 1)
    ltri = (row_b > col_b).astype(jnp.float32)
    carry = jnp.zeros((1, E), jnp.float32)
    pieces = []
    for bidx in range(T2 // CB):
        sub = lax.slice(ohA, (bidx * CB, 0), (bidx * CB + CB, E))
        loc = jnp.dot(ltri, sub, preferred_element_type=jnp.float32,
                      precision=HIGH) + carry
        pieces.append(loc)
        carry = carry + jnp.sum(sub, axis=0, keepdims=True)
    cum = jnp.concatenate(pieces, axis=0)
    spv = jnp.sum(ohA * (cum + offv), axis=-1, keepdims=True)
    sp_ref[...] = spv.astype(jnp.int32)


def _gffn_body(off_ref, xs_ref, w1_ref, b1_ref, w2_ref, b2_ref, y_ref,
               w1s_ref, w2s_ref):
    e = pl.program_id(0)
    hc = pl.program_id(1)
    w1s_ref[...] = w1_ref[0].astype(jnp.bfloat16)
    w2s_ref[...] = w2_ref[0].astype(jnp.bfloat16)
    lo_e = off_ref[0, e]
    hi_e = off_ref[0, e + 1]
    j0 = lo_e // BLK_T
    j1 = (hi_e + BLK_T - 1) // BLK_T

    def _block(j, carry):
        r0 = pl.multiple_of(j * BLK_T, BLK_T)
        lo = jnp.maximum(lo_e, r0)
        hi = jnp.minimum(hi_e, r0 + BLK_T)
        xb = xs_ref[pl.ds(r0, BLK_T), :].astype(jnp.bfloat16)
        h = jnp.dot(xb, w1s_ref[...], preferred_element_type=jnp.float32)
        h = _gelu(h + b1_ref[0, 0])
        y = jnp.dot(h.astype(jnp.bfloat16), w2s_ref[...],
                    preferred_element_type=jnp.float32)
        row = r0 + lax.broadcasted_iota(jnp.int32, (BLK_T, D), 0)
        mask = jnp.logical_and(row >= lo, row < hi)

        @pl.when(hc == 0)
        def _init():
            y_ref[pl.ds(r0, BLK_T), :] = jnp.where(
                mask, y + b2_ref[0, 0], y_ref[pl.ds(r0, BLK_T), :])

        @pl.when(hc != 0)
        def _acc():
            old = y_ref[pl.ds(r0, BLK_T), :]
            y_ref[pl.ds(r0, BLK_T), :] = jnp.where(mask, old + y, old)

        return carry

    lax.fori_loop(j0, j1, _block, 0)


def _combine_body(yg0_ref, yg1_ref, wc_ref, out_ref):
    wc = wc_ref[...]
    lane = lax.broadcasted_iota(jnp.int32, wc.shape, 1)
    w0 = jnp.sum(jnp.where(lane == 0, wc, 0.0), axis=-1, keepdims=True)
    w1 = jnp.sum(jnp.where(lane == 1, wc, 0.0), axis=-1, keepdims=True)
    out_ref[...] = (w0 * yg0_ref[...].astype(jnp.float32)
                    + w1 * yg1_ref[...].astype(jnp.float32))


def _sc_info():
    info = plsc.get_sparse_core_info()
    return info.num_cores, info.num_subcores


@functools.lru_cache(maxsize=None)
def _make_sc_kernels(T, T2, Dn):
    NC, NS = _sc_info()
    NW = NC * NS
    rows_per = T2 // NW
    mesh = plsc.VectorSubcoreMesh(core_axis_name="c", subcore_axis_name="s")
    scratch = [
        pltpu.VMEM((rows_per,), jnp.int32),
        pltpu.VMEM((rows_per, Dn), jnp.float32),
        pltpu.SemaphoreType.DMA,
    ]

    @functools.partial(
        pl.kernel, mesh=mesh,
        out_type=jax.ShapeDtypeStruct((T2, Dn), jnp.float32),
        scratch_types=scratch,
    )
    def dispatch(x_hbm, sp_hbm, xs_hbm, idx_v, rows_v, sem):
        wid = lax.axis_index("s") * NC + lax.axis_index("c")
        pltpu.sync_copy(sp_hbm.at[wid], idx_v)
        tok0 = lax.rem(wid * rows_per, T)
        pltpu.sync_copy(x_hbm.at[pl.ds(tok0, rows_per)], rows_v)
        pltpu.async_copy(rows_v, xs_hbm.at[idx_v], sem).wait()

    @functools.partial(
        pl.kernel, mesh=mesh,
        out_type=jax.ShapeDtypeStruct((T2, Dn), jnp.float32),
        scratch_types=scratch,
    )
    def gather(y_hbm, sp_hbm, yg_hbm, idx_v, rows_v, sem):
        wid = lax.axis_index("s") * NC + lax.axis_index("c")
        pltpu.sync_copy(sp_hbm.at[wid], idx_v)
        pltpu.async_copy(y_hbm.at[idx_v], rows_v, sem).wait()
        pltpu.sync_copy(rows_v, yg_hbm.at[pl.ds(wid * rows_per, rows_per)])

    return dispatch, gather, NW


def kernel(x, Wg, W1, b1, W2, b2):
    b, s, d = x.shape
    T = b * s
    T2 = K * T
    xf = x.reshape(T, d)

    sp, wc, off, aux = pl.pallas_call(
        _router_body,
        out_shape=(
            jax.ShapeDtypeStruct((T2, 1), jnp.int32),
            jax.ShapeDtypeStruct((T, E), jnp.float32),
            jax.ShapeDtypeStruct((1, 16), jnp.int32),
            jax.ShapeDtypeStruct((1, 1), jnp.float32),
        ),
        in_specs=[
            pl.BlockSpec(memory_space=pltpu.VMEM),
            pl.BlockSpec(memory_space=pltpu.VMEM),
        ],
        out_specs=(
            pl.BlockSpec(memory_space=pltpu.VMEM),
            pl.BlockSpec(memory_space=pltpu.VMEM),
            pl.BlockSpec(memory_space=pltpu.SMEM),
            pl.BlockSpec(memory_space=pltpu.SMEM),
        ),
    )(xf, Wg)

    dispatch, gather, NW = _make_sc_kernels(T, T2, d)
    sp_rows = sp.reshape(NW, T2 // NW)

    xs = dispatch(xf, sp_rows)

    b1r = b1.reshape(E, HC, 1, HB)
    b2r = b2.reshape(E, 1, D)

    grid = (E, HC)
    y = pl.pallas_call(
        _gffn_body,
        grid=grid,
        in_specs=[
            pl.BlockSpec(memory_space=pltpu.SMEM),
            pl.BlockSpec((T2, D), lambda e, hc: (0, 0)),
            pl.BlockSpec((1, D, HB), lambda e, hc: (e, 0, hc)),
            pl.BlockSpec((1, 1, 1, HB), lambda e, hc: (e, hc, 0, 0)),
            pl.BlockSpec((1, HB, D), lambda e, hc: (e, hc, 0)),
            pl.BlockSpec((1, 1, D), lambda e, hc: (e, 0, 0)),
        ],
        out_specs=pl.BlockSpec((T2, D), lambda e, hc: (0, 0)),
        out_shape=jax.ShapeDtypeStruct((T2, D), jnp.float32),
        scratch_shapes=[
            pltpu.VMEM((D, HB), jnp.bfloat16),
            pltpu.VMEM((HB, D), jnp.bfloat16),
        ],
        compiler_params=pltpu.CompilerParams(
            vmem_limit_bytes=110 * 1024 * 1024),
    )(off, xs, W1, b1r, W2, b2r)

    yg = gather(y, sp_rows)

    CT = 512
    out = pl.pallas_call(
        _combine_body,
        grid=(T // CT,),
        in_specs=[
            pl.BlockSpec((CT, D), lambda c: (c, 0)),
            pl.BlockSpec((CT, D), lambda c, nb=T // CT: (c + nb, 0)),
            pl.BlockSpec((CT, E), lambda c: (c, 0)),
        ],
        out_specs=pl.BlockSpec((CT, D), lambda c: (c, 0)),
        out_shape=jax.ShapeDtypeStruct((T, D), jnp.float32),
    )(yg, yg, wc)

    return out.reshape(b, s, d), aux.reshape(())

# --- scband reference (transcript-rebuilt; emitter-appended) ---
"""Pipeline reference for scband-mo-elayer-6468220748458 (READ-ONLY COPY).

The authoritative reference and input builder live on the scoring server;
editing this copy changes nothing except your own understanding.
"""

import jax, jax.numpy as jnp
import numpy as np

D = 768
H = 3072
E = 8
K = 2
B = 1
S = 2048

def setup_inputs(seed: int = 0) -> dict:
    key = jax.random.key(seed)
    ks = jax.random.split(key, 6)
    x = jax.random.normal(ks[0], (B, S, D), dtype=jnp.float32)
    Wg = jax.random.normal(ks[1], (D, E), dtype=jnp.float32) * 0.02
    W1 = jax.random.normal(ks[2], (E, D, H), dtype=jnp.float32) * (1.0 / np.sqrt(D))
    b1 = jnp.zeros((E, H), dtype=jnp.float32)
    W2 = jax.random.normal(ks[3], (E, H, D), dtype=jnp.float32) * (1.0 / np.sqrt(H))
    b2 = jnp.zeros((E, D), dtype=jnp.float32)
    return {"x": x, "Wg": Wg, "W1": W1, "b1": b1, "W2": W2, "b2": b2}

def reference(x, Wg, W1, b1, W2, b2):
    b, s, d = x.shape
    T = b * s
    xf = x.reshape(T, d)
    # Router
    logits = xf @ Wg                                  # [T, E]
    probs = jax.nn.softmax(logits, axis=-1)
    weights, indices = jax.lax.top_k(probs, K)        # [T, K]
    weights = weights / jnp.sum(weights, axis=-1, keepdims=True)
    # Aux load-balancing loss
    expert_mask = jax.nn.one_hot(indices, E, dtype=jnp.float32)  # [T, K, E]
    expert_mask_flat = expert_mask.sum(axis=1)                    # [T, E]
    f_i = expert_mask_flat.mean(axis=0)
    p_i = probs.mean(axis=0)
    aux_loss = E * jnp.sum(f_i * p_i)
    # Combine weights per expert: combine[t,e] = sum_k weights[t,k]*1[indices[t,k]==e]
    combine = jnp.sum(expert_mask * weights[..., None], axis=1)   # [T, E]
    # Expert FFNs (dropout=0.0 -> identity). Dense-per-expert then weighted combine
    # is mathematically identical to the masked routed computation in the torch code.
    h = jax.nn.gelu(jnp.einsum('td,edh->teh', xf, W1) + b1[None, :, :], approximate=False)  # [T, E, H]
    y = jnp.einsum('teh,ehd->ted', h, W2) + b2[None, :, :]                                    # [T, E, D]
    out = jnp.einsum('te,ted->td', combine, y)                                               # [T, D]
    return out.reshape(b, s, d), aux_loss

if __name__ == "__main__":
    import jax
    _d = setup_inputs()
    print(jax.jit(kernel)(*tuple(_d.values())))

</pallas_src>

<mosaic_0001>
#map = affine_map<(d0, d1) -> (0, 0)>
module attributes {stable_mosaic.version = 14 : i64} {
  func.func @gather(%arg0: i32, %arg1: i32, %arg2: memref<4096x768xf32, #tpu.memory_space<hbm>>, %arg3: memref<32x128xi32, #tpu.memory_space<hbm>>, %arg4: memref<4096x768xf32, #tpu.memory_space<hbm>>, %arg5: memref<128xi32, #tpu.memory_space<vmem>>, %arg6: memref<128x768xf32, #tpu.memory_space<vmem>>, %arg7: memref<!tpu.dma_semaphore, #tpu.memory_space<semaphore_mem>>) attributes {dimension_semantics = [#tpu.dimension_semantics<core_parallel>, #tpu.dimension_semantics<subcore_parallel>], iteration_bounds = array<i64: 2, 16>, scalar_prefetch = 0 : i64, scratch_operands = 3 : i64, tpu.core_type = #tpu.core_type<sc_vector_subcore>, window_params = [{transform_indices = #map}, {transform_indices = #map}, {transform_indices = #map}]} {
    %mul3A = arith.constant 2 : i32
    %mul3A_0 = arith.muli %arg1, %mul3A : i32
    %add3A = arith.addi %mul3A_0, %arg0 : i32
    "tpu.region"() ({
      %run_scoped3A = tpu.sem_alloc : memref<!tpu.dma_semaphore, #tpu.memory_space<semaphore_mem>>
      %dma_start3A_7 = arith.constant 0 : i32
      %dma_start3A_8 = tpu.memref_slice %arg3[%add3A, %dma_start3A_7] : memref<32x128xi32, #tpu.memory_space<hbm>> -> memref<1x128xi32, #tpu.memory_space<hbm>>
      %dma_start3A_9 = tpu.memref_squeeze %dma_start3A_8 : memref<1x128xi32, #tpu.memory_space<hbm>> -> memref<128xi32, #tpu.memory_space<hbm>>
      %dma_start3A_10 = arith.constant 0 : i32
      %dma_start3A_11 = tpu.memref_slice %arg3[%add3A, %dma_start3A_10] : memref<32x128xi32, #tpu.memory_space<hbm>> -> memref<1x128xi32, #tpu.memory_space<hbm>>
      %dma_start3A_12 = tpu.memref_squeeze %dma_start3A_11 : memref<1x128xi32, #tpu.memory_space<hbm>> -> memref<128xi32, #tpu.memory_space<hbm>>
      tpu.enqueue_dma source(%dma_start3A_12 : memref<128xi32, #tpu.memory_space<hbm>>) target(%arg5 : memref<128xi32, #tpu.memory_space<vmem>>) target_semaphore(%run_scoped3A : memref<!tpu.dma_semaphore, #tpu.memory_space<semaphore_mem>>)
      %dma_wait3A_13 = arith.constant 0 : i32
      %dma_wait3A_14 = tpu.memref_slice %arg3[%add3A, %dma_wait3A_13] : memref<32x128xi32, #tpu.memory_space<hbm>> -> memref<1x128xi32, #tpu.memory_space<hbm>>
      %dma_wait3A_15 = tpu.memref_squeeze %dma_wait3A_14 : memref<1x128xi32, #tpu.memory_space<hbm>> -> memref<128xi32, #tpu.memory_space<hbm>>
      %dma_wait3A_16 = arith.constant 0 : i32
      %dma_wait3A_17 = tpu.memref_slice %arg3[%add3A, %dma_wait3A_16] : memref<32x128xi32, #tpu.memory_space<hbm>> -> memref<1x128xi32, #tpu.memory_space<hbm>>
      %dma_wait3A_18 = tpu.memref_squeeze %dma_wait3A_17 : memref<1x128xi32, #tpu.memory_space<hbm>> -> memref<128xi32, #tpu.memory_space<hbm>>
      tpu.wait_dma2 semaphore(%run_scoped3A : memref<!tpu.dma_semaphore, #tpu.memory_space<semaphore_mem>>) src(%dma_wait3A_18 : memref<128xi32, #tpu.memory_space<hbm>>) dst(%arg5 : memref<128xi32, #tpu.memory_space<vmem>>)
      tpu.yield
    }) : () -> ()
    %dma_start3A = arith.constant 0 : i32
    %dma_start3A_1 = arith.constant 0 : i32
    %dma_start3A_2 = tpu.memref_slice %arg2[%dma_start3A, %dma_start3A_1] : memref<4096x768xf32, #tpu.memory_space<hbm>> -> memref<4096x768xf32, #tpu.memory_space<hbm>>
    tpu.enqueue_indirect_dma source(%dma_start3A_2 : memref<4096x768xf32, #tpu.memory_space<hbm>>) target(%arg6 : memref<128x768xf32, #tpu.memory_space<vmem>>) offsets(%arg5 : memref<128xi32, #tpu.memory_space<vmem>>) semaphore(%arg7 : memref<!tpu.dma_semaphore, #tpu.memory_space<semaphore_mem>>)
    %dma_wait3A = arith.constant 0 : i32
    %dma_wait3A_3 = arith.constant 0 : i32
    %dma_wait3A_4 = tpu.memref_slice %arg2[%dma_wait3A, %dma_wait3A_3] : memref<4096x768xf32, #tpu.memory_space<hbm>> -> memref<4096x768xf32, #tpu.memory_space<hbm>>
    tpu.wait_indirect_dma semaphore(%arg7 : memref<!tpu.dma_semaphore, #tpu.memory_space<semaphore_mem>>) src(%dma_wait3A_4 : memref<4096x768xf32, #tpu.memory_space<hbm>>) dst(%arg6 : memref<128x768xf32, #tpu.memory_space<vmem>>)
    %mul3A_5 = arith.constant 128 : i32
    %mul3A_6 = arith.muli %add3A, %mul3A_5 : i32
    "tpu.region"() ({
      %run_scoped3A = tpu.sem_alloc : memref<!tpu.dma_semaphore, #tpu.memory_space<semaphore_mem>>
      %dma_start3A_7 = arith.constant 0 : i32
      %dma_start3A_8 = tpu.memref_slice %arg4[%mul3A_6, %dma_start3A_7] : memref<4096x768xf32, #tpu.memory_space<hbm>> -> memref<128x768xf32, #tpu.memory_space<hbm>>
      %dma_start3A_9 = arith.constant 0 : i32
      %dma_start3A_10 = tpu.memref_slice %arg4[%mul3A_6, %dma_start3A_9] : memref<4096x768xf32, #tpu.memory_space<hbm>> -> memref<128x768xf32, #tpu.memory_space<hbm>>
      tpu.enqueue_dma source(%arg6 : memref<128x768xf32, #tpu.memory_space<vmem>>) target(%dma_start3A_10 : memref<128x768xf32, #tpu.memory_space<hbm>>) target_semaphore(%run_scoped3A : memref<!tpu.dma_semaphore, #tpu.memory_space<semaphore_mem>>)
      %dma_wait3A_11 = arith.constant 0 : i32
      %dma_wait3A_12 = tpu.memref_slice %arg4[%mul3A_6, %dma_wait3A_11] : memref<4096x768xf32, #tpu.memory_space<hbm>> -> memref<128x768xf32, #tpu.memory_space<hbm>>
      %dma_wait3A_13 = arith.constant 0 : i32
      %dma_wait3A_14 = tpu.memref_slice %arg4[%mul3A_6, %dma_wait3A_13] : memref<4096x768xf32, #tpu.memory_space<hbm>> -> memref<128x768xf32, #tpu.memory_space<hbm>>
      tpu.wait_dma2 semaphore(%run_scoped3A : memref<!tpu.dma_semaphore, #tpu.memory_space<semaphore_mem>>) src(%arg6 : memref<128x768xf32, #tpu.memory_space<vmem>>) dst(%dma_wait3A_14 : memref<128x768xf32, #tpu.memory_space<hbm>>)
      tpu.yield
    }) : () -> ()
    return
  }
}

#map = affine_map<(d0, d1) -> (0, 0)>
module attributes {stable_mosaic.version = 14 : i64} {
  func.func @dispatch(%arg0: i32, %arg1: i32, %arg2: memref<2048x768xf32, #tpu.memory_space<hbm>>, %arg3: memref<32x128xi32, #tpu.memory_space<hbm>>, %arg4: memref<4096x768xf32, #tpu.memory_space<hbm>>, %arg5: memref<128xi32, #tpu.memory_space<vmem>>, %arg6: memref<128x768xf32, #tpu.memory_space<vmem>>, %arg7: memref<!tpu.dma_semaphore, #tpu.memory_space<semaphore_mem>>) attributes {dimension_semantics = [#tpu.dimension_semantics<core_parallel>, #tpu.dimension_semantics<subcore_parallel>], iteration_bounds = array<i64: 2, 16>, scalar_prefetch = 0 : i64, scratch_operands = 3 : i64, tpu.core_type = #tpu.core_type<sc_vector_subcore>, window_params = [{transform_indices = #map}, {transform_indices = #map}, {transform_indices = #map}]} {
    %mul3A = arith.constant 2 : i32
    %mul3A_0 = arith.muli %arg1, %mul3A : i32
    %add3A = arith.addi %mul3A_0, %arg0 : i32
    "tpu.region"() ({
      %run_scoped3A = tpu.sem_alloc : memref<!tpu.dma_semaphore, #tpu.memory_space<semaphore_mem>>
      %dma_start3A_8 = arith.constant 0 : i32
      %dma_start3A_9 = tpu.memref_slice %arg3[%add3A, %dma_start3A_8] : memref<32x128xi32, #tpu.memory_space<hbm>> -> memref<1x128xi32, #tpu.memory_space<hbm>>
      %dma_start3A_10 = tpu.memref_squeeze %dma_start3A_9 : memref<1x128xi32, #tpu.memory_space<hbm>> -> memref<128xi32, #tpu.memory_space<hbm>>
      %dma_start3A_11 = arith.constant 0 : i32
      %dma_start3A_12 = tpu.memref_slice %arg3[%add3A, %dma_start3A_11] : memref<32x128xi32, #tpu.memory_space<hbm>> -> memref<1x128xi32, #tpu.memory_space<hbm>>
      %dma_start3A_13 = tpu.memref_squeeze %dma_start3A_12 : memref<1x128xi32, #tpu.memory_space<hbm>> -> memref<128xi32, #tpu.memory_space<hbm>>
      tpu.enqueue_dma source(%dma_start3A_13 : memref<128xi32, #tpu.memory_space<hbm>>) target(%arg5 : memref<128xi32, #tpu.memory_space<vmem>>) target_semaphore(%run_scoped3A : memref<!tpu.dma_semaphore, #tpu.memory_space<semaphore_mem>>)
      %dma_wait3A_14 = arith.constant 0 : i32
      %dma_wait3A_15 = tpu.memref_slice %arg3[%add3A, %dma_wait3A_14] : memref<32x128xi32, #tpu.memory_space<hbm>> -> memref<1x128xi32, #tpu.memory_space<hbm>>
      %dma_wait3A_16 = tpu.memref_squeeze %dma_wait3A_15 : memref<1x128xi32, #tpu.memory_space<hbm>> -> memref<128xi32, #tpu.memory_space<hbm>>
      %dma_wait3A_17 = arith.constant 0 : i32
      %dma_wait3A_18 = tpu.memref_slice %arg3[%add3A, %dma_wait3A_17] : memref<32x128xi32, #tpu.memory_space<hbm>> -> memref<1x128xi32, #tpu.memory_space<hbm>>
      %dma_wait3A_19 = tpu.memref_squeeze %dma_wait3A_18 : memref<1x128xi32, #tpu.memory_space<hbm>> -> memref<128xi32, #tpu.memory_space<hbm>>
      tpu.wait_dma2 semaphore(%run_scoped3A : memref<!tpu.dma_semaphore, #tpu.memory_space<semaphore_mem>>) src(%dma_wait3A_19 : memref<128xi32, #tpu.memory_space<hbm>>) dst(%arg5 : memref<128xi32, #tpu.memory_space<vmem>>)
      tpu.yield
    }) : () -> ()
    %mul3A_1 = arith.constant 128 : i32
    %mul3A_2 = arith.muli %add3A, %mul3A_1 : i32
    %rem3A = arith.constant 2048 : i32
    %rem3A_3 = arith.remsi %mul3A_2, %rem3A : i32
    "tpu.region"() ({
      %run_scoped3A = tpu.sem_alloc : memref<!tpu.dma_semaphore, #tpu.memory_space<semaphore_mem>>
      %dma_start3A_8 = arith.constant 0 : i32
      %dma_start3A_9 = tpu.memref_slice %arg2[%rem3A_3, %dma_start3A_8] : memref<2048x768xf32, #tpu.memory_space<hbm>> -> memref<128x768xf32, #tpu.memory_space<hbm>>
      %dma_start3A_10 = arith.constant 0 : i32
      %dma_start3A_11 = tpu.memref_slice %arg2[%rem3A_3, %dma_start3A_10] : memref<2048x768xf32, #tpu.memory_space<hbm>> -> memref<128x768xf32, #tpu.memory_space<hbm>>
      tpu.enqueue_dma source(%dma_start3A_11 : memref<128x768xf32, #tpu.memory_space<hbm>>) target(%arg6 : memref<128x768xf32, #tpu.memory_space<vmem>>) target_semaphore(%run_scoped3A : memref<!tpu.dma_semaphore, #tpu.memory_space<semaphore_mem>>)
      %dma_wait3A_12 = arith.constant 0 : i32
      %dma_wait3A_13 = tpu.memref_slice %arg2[%rem3A_3, %dma_wait3A_12] : memref<2048x768xf32, #tpu.memory_space<hbm>> -> memref<128x768xf32, #tpu.memory_space<hbm>>
      %dma_wait3A_14 = arith.constant 0 : i32
      %dma_wait3A_15 = tpu.memref_slice %arg2[%rem3A_3, %dma_wait3A_14] : memref<2048x768xf32, #tpu.memory_space<hbm>> -> memref<128x768xf32, #tpu.memory_space<hbm>>
      tpu.wait_dma2 semaphore(%run_scoped3A : memref<!tpu.dma_semaphore, #tpu.memory_space<semaphore_mem>>) src(%dma_wait3A_15 : memref<128x768xf32, #tpu.memory_space<hbm>>) dst(%arg6 : memref<128x768xf32, #tpu.memory_space<vmem>>)
      tpu.yield
    }) : () -> ()
    %dma_start3A = arith.constant 0 : i32
    %dma_start3A_4 = arith.constant 0 : i32
    %dma_start3A_5 = tpu.memref_slice %arg4[%dma_start3A, %dma_start3A_4] : memref<4096x768xf32, #tpu.memory_space<hbm>> -> memref<4096x768xf32, #tpu.memory_space<hbm>>
    tpu.enqueue_indirect_dma source(%arg6 : memref<128x768xf32, #tpu.memory_space<vmem>>) target(%dma_start3A_5 : memref<4096x768xf32, #tpu.memory_space<hbm>>) offsets(%arg5 : memref<128xi32, #tpu.memory_space<vmem>>) semaphore(%arg7 : memref<!tpu.dma_semaphore, #tpu.memory_space<semaphore_mem>>)
    %dma_wait3A = arith.constant 0 : i32
    %dma_wait3A_6 = arith.constant 0 : i32
    %dma_wait3A_7 = tpu.memref_slice %arg4[%dma_wait3A, %dma_wait3A_6] : memref<4096x768xf32, #tpu.memory_space<hbm>> -> memref<4096x768xf32, #tpu.memory_space<hbm>>
    tpu.wait_indirect_dma semaphore(%arg7 : memref<!tpu.dma_semaphore, #tpu.memory_space<semaphore_mem>>) src(%arg6 : memref<128x768xf32, #tpu.memory_space<vmem>>) dst(%dma_wait3A_7 : memref<4096x768xf32, #tpu.memory_space<hbm>>)
    return
  }
}

module attributes {stable_mosaic.version = 14 : i64} {
  func.func @_router_body(%arg0: memref<2048x768xf32, #tpu.memory_space<vmem>>, %arg1: memref<768x8xf32, #tpu.memory_space<vmem>>, %arg2: memref<4096x1xi32, #tpu.memory_space<vmem>>, %arg3: memref<2048x8xf32, #tpu.memory_space<vmem>>, %arg4: memref<1x16xi32, #tpu.memory_space<smem>>, %arg5: memref<1x1xf32, #tpu.memory_space<smem>>) attributes {dimension_semantics = [], scalar_prefetch = 0 : i64, scratch_operands = 0 : i64, tpu.core_type = #tpu.core_type<tc>} {
    %get3A = arith.constant 0 : index
    %get3A_0 = arith.constant 0 : index
    %get3A_1 = vector.load %arg0[%get3A, %get3A_0] : memref<2048x768xf32, #tpu.memory_space<vmem>>, vector<2048x768xf32>
    %get3A_2 = arith.constant 0 : index
    %get3A_3 = arith.constant 0 : index
    %get3A_4 = vector.load %arg1[%get3A_2, %get3A_3] : memref<768x8xf32, #tpu.memory_space<vmem>>, vector<768x8xf32>
    %dot_general3A = arith.constant dense<0.000000e+00> : vector<2048x8xf32>
    %dot_general3A_5 = tpu.matmul %get3A_1, %get3A_4, %dot_general3A {dimension_numbers = #tpu.dot_dimension_numbers<[1], [0], [0], [1], [0, 0, 1, 1], [], []>, transpose_lhs_hint = false} : vector<2048x768xf32>, vector<768x8xf32>, vector<2048x8xf32> -> vector<2048x8xf32>
    %reduce_max3A = arith.constant dense<0xFF800000> : vector<2048xf32>
    %reduce_max3A_6 = vector.multi_reduction <maximumf>, %dot_general3A_5, %reduce_max3A [1] : vector<2048x8xf32> to vector<2048xf32>
    %broadcast_in_dim3A = vector.shape_cast %reduce_max3A_6 : vector<2048xf32> to vector<2048x1xf32>
    %sub3A = vector.broadcast %broadcast_in_dim3A : vector<2048x1xf32> to vector<2048x8xf32>
    %sub3A_7 = arith.subf %dot_general3A_5, %sub3A : vector<2048x8xf32>
    %exp3A = math.exp %sub3A_7 : vector<2048x8xf32>
    %reduce_sum3A = arith.constant dense<0.000000e+00> : vector<2048xf32>
    %reduce_sum3A_8 = vector.multi_reduction <add>, %exp3A, %reduce_sum3A [1] : vector<2048x8xf32> to vector<2048xf32>
    %broadcast_in_dim3A_9 = vector.shape_cast %reduce_sum3A_8 : vector<2048xf32> to vector<2048x1xf32>
    %div3A = vector.broadcast %broadcast_in_dim3A_9 : vector<2048x1xf32> to vector<2048x8xf32>
    %div3A_10 = arith.divf %exp3A, %div3A : vector<2048x8xf32>
    %iota3A = tpu.iota {dimensions = array<i32: 1>} : vector<2048x8xi32>
    %reduce_max3A_11 = arith.constant dense<0xFF800000> : vector<2048xf32>
    %reduce_max3A_12 = vector.multi_reduction <maximumf>, %div3A_10, %reduce_max3A_11 [1] : vector<2048x8xf32> to vector<2048xf32>
    %broadcast_in_dim3A_13 = vector.shape_cast %reduce_max3A_12 : vector<2048xf32> to vector<2048x1xf32>
    %eq3A = vector.broadcast %broadcast_in_dim3A_13 : vector<2048x1xf32> to vector<2048x8xf32>
    %eq3A_14 = arith.cmpf oeq, %div3A_10, %eq3A : vector<2048x8xf32>
    %jit3A = arith.constant 8 : i32
    %broadcast_in_dim3A_15 = vector.broadcast %jit3A : i32 to vector<2048x8xi32>
    %select_n3A = arith.select %eq3A_14, %iota3A, %broadcast_in_dim3A_15 : vector<2048x8xi1>, vector<2048x8xi32>
    %reduce_min3A = arith.constant dense<2147483647> : vector<2048xi32>
    %reduce_min3A_16 = vector.multi_reduction <minsi>, %select_n3A, %reduce_min3A [1] : vector<2048x8xi32> to vector<2048xi32>
    %broadcast_in_dim3A_17 = vector.shape_cast %reduce_min3A_16 : vector<2048xi32> to vector<2048x1xi32>
    %eq3A_18 = vector.broadcast %broadcast_in_dim3A_17 : vector<2048x1xi32> to vector<2048x8xi32>
    %eq3A_19 = arith.cmpi eq, %iota3A, %eq3A_18 : vector<2048x8xi32>
    %jit3A_20 = arith.constant -1.000000e+00 : f32
    %broadcast_in_dim3A_21 = vector.broadcast %jit3A_20 : f32 to vector<2048x8xf32>
    %select_n3A_22 = arith.select %eq3A_19, %broadcast_in_dim3A_21, %div3A_10 : vector<2048x8xi1>, vector<2048x8xf32>
    %reduce_max3A_23 = arith.constant dense<0xFF800000> : vector<2048xf32>
    %reduce_max3A_24 = vector.multi_reduction <maximumf>, %select_n3A_22, %reduce_max3A_23 [1] : vector<2048x8xf32> to vector<2048xf32>
    %broadcast_in_dim3A_25 = vector.shape_cast %reduce_max3A_24 : vector<2048xf32> to vector<2048x1xf32>
    %eq3A_26 = vector.broadcast %broadcast_in_dim3A_25 : vector<2048x1xf32> to vector<2048x8xf32>
    %eq3A_27 = arith.cmpf oeq, %select_n3A_22, %eq3A_26 : vector<2048x8xf32>
    %jit3A_28 = arith.constant 8 : i32
    %broadcast_in_dim3A_29 = vector.broadcast %jit3A_28 : i32 to vector<2048x8xi32>
    %select_n3A_30 = arith.select %eq3A_27, %iota3A, %broadcast_in_dim3A_29 : vector<2048x8xi1>, vector<2048x8xi32>
    %reduce_min3A_31 = arith.constant dense<2147483647> : vector<2048xi32>
    %reduce_min3A_32 = vector.multi_reduction <minsi>, %select_n3A_30, %reduce_min3A_31 [1] : vector<2048x8xi32> to vector<2048xi32>
    %broadcast_in_dim3A_33 = vector.shape_cast %reduce_min3A_32 : vector<2048xi32> to vector<2048x1xi32>
    %add3A = arith.addf %broadcast_in_dim3A_13, %broadcast_in_dim3A_25 : vector<2048x1xf32>
    %div3A_34 = arith.divf %broadcast_in_dim3A_13, %add3A : vector<2048x1xf32>
    %div3A_35 = arith.divf %broadcast_in_dim3A_25, %add3A : vector<2048x1xf32>
    %eq3A_36 = vector.broadcast %broadcast_in_dim3A_17 : vector<2048x1xi32> to vector<2048x8xi32>
    %eq3A_37 = arith.cmpi eq, %iota3A, %eq3A_36 : vector<2048x8xi32>
    %convert_element_type3A = arith.extui %eq3A_37 : vector<2048x8xi1> to vector<2048x8xi32>
    %convert_element_type3A_38 = arith.sitofp %convert_element_type3A : vector<2048x8xi32> to vector<2048x8xf32>
    %eq3A_39 = vector.broadcast %broadcast_in_dim3A_33 : vector<2048x1xi32> to vector<2048x8xi32>
    %eq3A_40 = arith.cmpi eq, %iota3A, %eq3A_39 : vector<2048x8xi32>
    %convert_element_type3A_41 = arith.extui %eq3A_40 : vector<2048x8xi1> to vector<2048x8xi32>
    %convert_element_type3A_42 = arith.sitofp %convert_element_type3A_41 : vector<2048x8xi32> to vector<2048x8xf32>
    %eq3A_43 = arith.constant 0 : i32
    %eq3A_44 = vector.broadcast %eq3A_43 : i32 to vector<2048x8xi32>
    %eq3A_45 = arith.cmpi eq, %iota3A, %eq3A_44 : vector<2048x8xi32>
    %jit3A_46 = arith.constant 0.000000e+00 : f32
    %broadcast_in_dim3A_47 = vector.shape_cast %div3A_34 : vector<2048x1xf32> to vector<2048x1xf32>
    %broadcast_in_dim3A_48 = vector.broadcast %broadcast_in_dim3A_47 : vector<2048x1xf32> to vector<2048x8xf32>
    %broadcast_in_dim3A_49 = vector.broadcast %jit3A_46 : f32 to vector<2048x8xf32>
    %select_n3A_50 = arith.select %eq3A_45, %broadcast_in_dim3A_48, %broadcast_in_dim3A_49 : vector<2048x8xi1>, vector<2048x8xf32>
    %eq3A_51 = arith.constant 1 : i32
    %eq3A_52 = vector.broadcast %eq3A_51 : i32 to vector<2048x8xi32>
    %eq3A_53 = arith.cmpi eq, %iota3A, %eq3A_52 : vector<2048x8xi32>
    %jit3A_54 = arith.constant 0.000000e+00 : f32
    %broadcast_in_dim3A_55 = vector.shape_cast %div3A_35 : vector<2048x1xf32> to vector<2048x1xf32>
    %broadcast_in_dim3A_56 = vector.broadcast %broadcast_in_dim3A_55 : vector<2048x1xf32> to vector<2048x8xf32>
    %broadcast_in_dim3A_57 = vector.broadcast %jit3A_54 : f32 to vector<2048x8xf32>
    %select_n3A_58 = arith.select %eq3A_53, %broadcast_in_dim3A_56, %broadcast_in_dim3A_57 : vector<2048x8xi1>, vector<2048x8xf32>
    %add3A_59 = arith.addf %select_n3A_50, %select_n3A_58 : vector<2048x8xf32>
    %swap3A = arith.constant 0 : index
    %swap3A_60 = arith.constant 0 : index
    %swap3A_61 = vector.load %arg3[%swap3A, %swap3A_60] : memref<2048x8xf32, #tpu.memory_space<vmem>>, vector<2048x8xf32>
    tpu.vector_store %arg3[%swap3A, %swap3A_60], %add3A_59 {strides = array<i32>} : memref<2048x8xf32, #tpu.memory_space<vmem>>, vector<2048x8xf32>,
    %add3A_62 = arith.addf %convert_element_type3A_38, %convert_element_type3A_42 : vector<2048x8xf32>
    %reduce_sum3A_63 = arith.constant dense<0.000000e+00> : vector<8xf32>
    %reduce_sum3A_64 = vector.multi_reduction <add>, %add3A_62, %reduce_sum3A_63 [0] : vector<2048x8xf32> to vector<8xf32>
    %broadcast_in_dim3A_65 = vector.shape_cast %reduce_sum3A_64 : vector<8xf32> to vector<1x8xf32>
    %reduce_sum3A_66 = arith.constant dense<0.000000e+00> : vector<8xf32>
    %reduce_sum3A_67 = vector.multi_reduction <add>, %div3A_10, %reduce_sum3A_66 [0] : vector<2048x8xf32> to vector<8xf32>
    %broadcast_in_dim3A_68 = vector.shape_cast %reduce_sum3A_67 : vector<8xf32> to vector<1x8xf32>
    %div3A_69 = arith.constant 2.048000e+03 : f32
    %div3A_70 = vector.broadcast %div3A_69 : f32 to vector<1x8xf32>
    %div3A_71 = arith.divf %broadcast_in_dim3A_68, %div3A_70 : vector<1x8xf32>
    %div3A_72 = arith.constant 2.048000e+03 : f32
    %div3A_73 = vector.broadcast %div3A_72 : f32 to vector<1x8xf32>
    %div3A_74 = arith.divf %broadcast_in_dim3A_65, %div3A_73 : vector<1x8xf32>
    %mul3A = arith.mulf %div3A_74, %div3A_71 : vector<1x8xf32>
    %reduce_sum3A_75 = vector.shape_cast %mul3A : vector<1x8xf32> to vector<1x1x8xf32>
    %reduce_sum3A_76 = arith.constant dense<0.000000e+00> : vector<1xf32>
    %reduce_sum3A_77 = vector.multi_reduction <add>, %reduce_sum3A_75, %reduce_sum3A_76 [1, 2] : vector<1x1x8xf32> to vector<1xf32>
    %reduce_sum3A_78 = vector.shape_cast %reduce_sum3A_77 : vector<1xf32> to vector<1x1x1xf32>
    %reduce_sum3A_79 = vector.extract %reduce_sum3A_78[0, 0, 0] : f32 from vector<1x1x1xf32>
    %mul3A_80 = arith.constant 8.000000e+00 : f32
    %mul3A_81 = arith.mulf %mul3A_80, %reduce_sum3A_79 : f32
    %swap3A_82 = arith.constant 0 : index
    %swap3A_83 = arith.constant 0 : index
    %swap3A_84 = memref.load %arg5[%swap3A_82, %swap3A_83] : memref<1x1xf32, #tpu.memory_space<smem>>
    memref.store %mul3A_81, %arg5[%swap3A_82, %swap3A_83] : memref<1x1xf32, #tpu.memory_space<smem>>
    %iota3A_85 = tpu.iota {dimensions = array<i32: 0>} : vector<8x8xi32>
    %iota3A_86 = tpu.iota {dimensions = array<i32: 1>} : vector<8x8xi32>
    %lt3A = arith.cmpi slt, %iota3A_85, %iota3A_86 : vector<8x8xi32>
    %convert_element_type3A_87 = arith.extui %lt3A : vector<8x8xi1> to vector<8x8xi32>
    %convert_element_type3A_88 = arith.sitofp %convert_element_type3A_87 : vector<8x8xi32> to vector<8x8xf32>
    %dot_general3A_89 = arith.constant dense<0.000000e+00> : vector<1x8xf32>
    %dot_general3A_90 = tpu.matmul %broadcast_in_dim3A_65, %convert_element_type3A_88, %dot_general3A_89 {dimension_numbers = #tpu.dot_dimension_numbers<[1], [0], [0], [1], [0, 0, 1, 1], [], []>, precision = #tpu.contract_precision<fp32>, transpose_lhs_hint = false} : vector<1x8xf32>, vector<8x8xf32>, vector<1x8xf32> -> vector<1x8xf32>
    %iota3A_91 = tpu.iota {dimensions = array<i32: 1>} : vector<1x8xi32>
    %eq3A_92 = arith.constant 0 : i32
    %eq3A_93 = vector.broadcast %eq3A_92 : i32 to vector<1x8xi32>
    %eq3A_94 = arith.cmpi eq, %iota3A_91, %eq3A_93 : vector<1x8xi32>
    %jit3A_95 = arith.constant 0.000000e+00 : f32
    %broadcast_in_dim3A_96 = vector.broadcast %jit3A_95 : f32 to vector<1x8xf32>
    %select_n3A_97 = arith.select %eq3A_94, %dot_general3A_90, %broadcast_in_dim3A_96 : vector<1x8xi1>, vector<1x8xf32>
    %reduce_sum3A_98 = vector.shape_cast %select_n3A_97 : vector<1x8xf32> to vector<1x1x8xf32>
    %reduce_sum3A_99 = arith.constant dense<0.000000e+00> : vector<1xf32>
    %reduce_sum3A_100 = vector.multi_reduction <add>, %reduce_sum3A_98, %reduce_sum3A_99 [1, 2] : vector<1x1x8xf32> to vector<1xf32>
    %reduce_sum3A_101 = vector.shape_cast %reduce_sum3A_100 : vector<1xf32> to vector<1x1x1xf32>
    %reduce_sum3A_102 = vector.extract %reduce_sum3A_101[0, 0, 0] : f32 from vector<1x1x1xf32>
    %convert_element_type3A_103 = arith.fptosi %reduce_sum3A_102 : f32 to i32
    %swap3A_104 = arith.constant 0 : index
    %swap3A_105 = arith.constant 0 : index
    %swap3A_106 = memref.load %arg4[%swap3A_104, %swap3A_105] : memref<1x16xi32, #tpu.memory_space<smem>>
    memref.store %convert_element_type3A_103, %arg4[%swap3A_104, %swap3A_105] : memref<1x16xi32, #tpu.memory_space<smem>>
    %eq3A_107 = arith.constant 1 : i32
    %eq3A_108 = vector.broadcast %eq3A_107 : i32 to vector<1x8xi32>
    %eq3A_109 = arith.cmpi eq, %iota3A_91, %eq3A_108 : vector<1x8xi32>
    %jit3A_110 = arith.constant 0.000000e+00 : f32
    %broadcast_in_dim3A_111 = vector.broadcast %jit3A_110 : f32 to vector<1x8xf32>
    %select_n3A_112 = arith.select %eq3A_109, %dot_general3A_90, %broadcast_in_dim3A_111 : vector<1x8xi1>, vector<1x8xf32>
    %reduce_sum3A_113 = vector.shape_cast %select_n3A_112 : vector<1x8xf32> to vector<1x1x8xf32>
    %reduce_sum3A_114 = arith.constant dense<0.000000e+00> : vector<1xf32>
    %reduce_sum3A_115 = vector.multi_reduction <add>, %reduce_sum3A_113, %reduce_sum3A_114 [1, 2] : vector<1x1x8xf32> to vector<1xf32>
    %reduce_sum3A_116 = vector.shape_cast %reduce_sum3A_115 : vector<1xf32> to vector<1x1x1xf32>
    %reduce_sum3A_117 = vector.extract %reduce_sum3A_116[0, 0, 0] : f32 from vector<1x1x1xf32>
    %convert_element_type3A_118 = arith.fptosi %reduce_sum3A_117 : f32 to i32
    %swap3A_119 = arith.constant 0 : index
    %swap3A_120 = arith.constant 1 : index
    %swap3A_121 = memref.load %arg4[%swap3A_119, %swap3A_120] : memref<1x16xi32, #tpu.memory_space<smem>>
    memref.store %convert_element_type3A_118, %arg4[%swap3A_119, %swap3A_120] : memref<1x16xi32, #tpu.memory_space<smem>>
    %eq3A_122 = arith.constant 2 : i32
    %eq3A_123 = vector.broadcast %eq3A_122 : i32 to vector<1x8xi32>
    %eq3A_124 = arith.cmpi eq, %iota3A_91, %eq3A_123 : vector<1x8xi32>
    %jit3A_125 = arith.constant 0.000000e+00 : f32
    %broadcast_in_dim3A_126 = vector.broadcast %jit3A_125 : f32 to vector<1x8xf32>
    %select_n3A_127 = arith.select %eq3A_124, %dot_general3A_90, %broadcast_in_dim3A_126 : vector<1x8xi1>, vector<1x8xf32>
    %reduce_sum3A_128 = vector.shape_cast %select_n3A_127 : vector<1x8xf32> to vector<1x1x8xf32>
    %reduce_sum3A_129 = arith.constant dense<0.000000e+00> : vector<1xf32>
    %reduce_sum3A_130 = vector.multi_reduction <add>, %reduce_sum3A_128, %reduce_sum3A_129 [1, 2] : vector<1x1x8xf32> to vector<1xf32>
    %reduce_sum3A_131 = vector.shape_cast %reduce_sum3A_130 : vector<1xf32> to vector<1x1x1xf32>
    %reduce_sum3A_132 = vector.extract %reduce_sum3A_131[0, 0, 0] : f32 from vector<1x1x1xf32>
    %convert_element_type3A_133 = arith.fptosi %reduce_sum3A_132 : f32 to i32
    %swap3A_134 = arith.constant 0 : index
    %swap3A_135 = arith.constant 2 : index
    %swap3A_136 = memref.load %arg4[%swap3A_134, %swap3A_135] : memref<1x16xi32, #tpu.memory_space<smem>>
    memref.store %convert_element_type3A_133, %arg4[%swap3A_134, %swap3A_135] : memref<1x16xi32, #tpu.memory_space<smem>>
    %eq3A_137 = arith.constant 3 : i32
    %eq3A_138 = vector.broadcast %eq3A_137 : i32 to vector<1x8xi32>
    %eq3A_139 = arith.cmpi eq, %iota3A_91, %eq3A_138 : vector<1x8xi32>
    %jit3A_140 = arith.constant 0.000000e+00 : f32
    %broadcast_in_dim3A_141 = vector.broadcast %jit3A_140 : f32 to vector<1x8xf32>
    %select_n3A_142 = arith.select %eq3A_139, %dot_general3A_90, %broadcast_in_dim3A_141 : vector<1x8xi1>, vector<1x8xf32>
    %reduce_sum3A_143 = vector.shape_cast %select_n3A_142 : vector<1x8xf32> to vector<1x1x8xf32>
    %reduce_sum3A_144 = arith.constant dense<0.000000e+00> : vector<1xf32>
    %reduce_sum3A_145 = vector.multi_reduction <add>, %reduce_sum3A_143, %reduce_sum3A_144 [1, 2] : vector<1x1x8xf32> to vector<1xf32>
    %reduce_sum3A_146 = vector.shape_cast %reduce_sum3A_145 : vector<1xf32> to vector<1x1x1xf32>
    %reduce_sum3A_147 = vector.extract %reduce_sum3A_146[0, 0, 0] : f32 from vector<1x1x1xf32>
    %convert_element_type3A_148 = arith.fptosi %reduce_sum3A_147 : f32 to i32
    %swap3A_149 = arith.constant 0 : index
    %swap3A_150 = arith.constant 3 : index
    %swap3A_151 = memref.load %arg4[%swap3A_149, %swap3A_150] : memref<1x16xi32, #tpu.memory_space<smem>>
    memref.store %convert_element_type3A_148, %arg4[%swap3A_149, %swap3A_150] : memref<1x16xi32, #tpu.memory_space<smem>>
    %eq3A_152 = arith.constant 4 : i32
    %eq3A_153 = vector.broadcast %eq3A_152 : i32 to vector<1x8xi32>
    %eq3A_154 = arith.cmpi eq, %iota3A_91, %eq3A_153 : vector<1x8xi32>
    %jit3A_155 = arith.constant 0.000000e+00 : f32
    %broadcast_in_dim3A_156 = vector.broadcast %jit3A_155 : f32 to vector<1x8xf32>
    %select_n3A_157 = arith.select %eq3A_154, %dot_general3A_90, %broadcast_in_dim3A_156 : vector<1x8xi1>, vector<1x8xf32>
    %reduce_sum3A_158 = vector.shape_cast %select_n3A_157 : vector<1x8xf32> to vector<1x1x8xf32>
    %reduce_sum3A_159 = arith.constant dense<0.000000e+00> : vector<1xf32>
    %reduce_sum3A_160 = vector.multi_reduction <add>, %reduce_sum3A_158, %reduce_sum3A_159 [1, 2] : vector<1x1x8xf32> to vector<1xf32>
    %reduce_sum3A_161 = vector.shape_cast %reduce_sum3A_160 : vector<1xf32> to vector<1x1x1xf32>
    %reduce_sum3A_162 = vector.extract %reduce_sum3A_161[0, 0, 0] : f32 from vector<1x1x1xf32>
    %convert_element_type3A_163 = arith.fptosi %reduce_sum3A_162 : f32 to i32
    %swap3A_164 = arith.constant 0 : index
    %swap3A_165 = arith.constant 4 : index
    %swap3A_166 = memref.load %arg4[%swap3A_164, %swap3A_165] : memref<1x16xi32, #tpu.memory_space<smem>>
    memref.store %convert_element_type3A_163, %arg4[%swap3A_164, %swap3A_165] : memref<1x16xi32, #tpu.memory_space<smem>>
    %eq3A_167 = arith.constant 5 : i32
    %eq3A_168 = vector.broadcast %eq3A_167 : i32 to vector<1x8xi32>
    %eq3A_169 = arith.cmpi eq, %iota3A_91, %eq3A_168 : vector<1x8xi32>
    %jit3A_170 = arith.constant 0.000000e+00 : f32
    %broadcast_in_dim3A_171 = vector.broadcast %jit3A_170 : f32 to vector<1x8xf32>
    %select_n3A_172 = arith.select %eq3A_169, %dot_general3A_90, %broadcast_in_dim3A_171 : vector<1x8xi1>, vector<1x8xf32>
    %reduce_sum3A_173 = vector.shape_cast %select_n3A_172 : vector<1x8xf32> to vector<1x1x8xf32>
    %reduce_sum3A_174 = arith.constant dense<0.000000e+00> : vector<1xf32>
    %reduce_sum3A_175 = vector.multi_reduction <add>, %reduce_sum3A_173, %reduce_sum3A_174 [1, 2] : vector<1x1x8xf32> to vector<1xf32>
    %reduce_sum3A_176 = vector.shape_cast %reduce_sum3A_175 : vector<1xf32> to vector<1x1x1xf32>
    %reduce_sum3A_177 = vector.extract %reduce_sum3A_176[0, 0, 0] : f32 from vector<1x1x1xf32>
    %convert_element_type3A_178 = arith.fptosi %reduce_sum3A_177 : f32 to i32
    %swap3A_179 = arith.constant 0 : index
    %swap3A_180 = arith.constant 5 : index
    %swap3A_181 = memref.load %arg4[%swap3A_179, %swap3A_180] : memref<1x16xi32, #tpu.memory_space<smem>>
    memref.store %convert_element_type3A_178, %arg4[%swap3A_179, %swap3A_180] : memref<1x16xi32, #tpu.memory_space<smem>>
    %eq3A_182 = arith.constant 6 : i32
    %eq3A_183 = vector.broadcast %eq3A_182 : i32 to vector<1x8xi32>
    %eq3A_184 = arith.cmpi eq, %iota3A_91, %eq3A_183 : vector<1x8xi32>
    %jit3A_185 = arith.constant 0.000000e+00 : f32
    %broadcast_in_dim3A_186 = vector.broadcast %jit3A_185 : f32 to vector<1x8xf32>
    %select_n3A_187 = arith.select %eq3A_184, %dot_general3A_90, %broadcast_in_dim3A_186 : vector<1x8xi1>, vector<1x8xf32>
    %reduce_sum3A_188 = vector.shape_cast %select_n3A_187 : vector<1x8xf32> to vector<1x1x8xf32>
    %reduce_sum3A_189 = arith.constant dense<0.000000e+00> : vector<1xf32>
    %reduce_sum3A_190 = vector.multi_reduction <add>, %reduce_sum3A_188, %reduce_sum3A_189 [1, 2] : vector<1x1x8xf32> to vector<1xf32>
    %reduce_sum3A_191 = vector.shape_cast %reduce_sum3A_190 : vector<1xf32> to vector<1x1x1xf32>
    %reduce_sum3A_192 = vector.extract %reduce_sum3A_191[0, 0, 0] : f32 from vector<1x1x1xf32>
    %convert_element_type3A_193 = arith.fptosi %reduce_sum3A_192 : f32 to i32
    %swap3A_194 = arith.constant 0 : index
    %swap3A_195 = arith.constant 6 : index
    %swap3A_196 = memref.load %arg4[%swap3A_194, %swap3A_195] : memref<1x16xi32, #tpu.memory_space<smem>>
    memref.store %convert_element_type3A_193, %arg4[%swap3A_194, %swap3A_195] : memref<1x16xi32, #tpu.memory_space<smem>>
    %eq3A_197 = arith.constant 7 : i32
    %eq3A_198 = vector.broadcast %eq3A_197 : i32 to vector<1x8xi32>
    %eq3A_199 = arith.cmpi eq, %iota3A_91, %eq3A_198 : vector<1x8xi32>
    %jit3A_200 = arith.constant 0.000000e+00 : f32
    %broadcast_in_dim3A_201 = vector.broadcast %jit3A_200 : f32 to vector<1x8xf32>
    %select_n3A_202 = arith.select %eq3A_199, %dot_general3A_90, %broadcast_in_dim3A_201 : vector<1x8xi1>, vector<1x8xf32>
    %reduce_sum3A_203 = vector.shape_cast %select_n3A_202 : vector<1x8xf32> to vector<1x1x8xf32>
    %reduce_sum3A_204 = arith.constant dense<0.000000e+00> : vector<1xf32>
    %reduce_sum3A_205 = vector.multi_reduction <add>, %reduce_sum3A_203, %reduce_sum3A_204 [1, 2] : vector<1x1x8xf32> to vector<1xf32>
    %reduce_sum3A_206 = vector.shape_cast %reduce_sum3A_205 : vector<1xf32> to vector<1x1x1xf32>
    %reduce_sum3A_207 = vector.extract %reduce_sum3A_206[0, 0, 0] : f32 from vector<1x1x1xf32>
    %convert_element_type3A_208 = arith.fptosi %reduce_sum3A_207 : f32 to i32
    %swap3A_209 = arith.constant 0 : index
    %swap3A_210 = arith.constant 7 : index
    %swap3A_211 = memref.load %arg4[%swap3A_209, %swap3A_210] : memref<1x16xi32, #tpu.memory_space<smem>>
    memref.store %convert_element_type3A_208, %arg4[%swap3A_209, %swap3A_210] : memref<1x16xi32, #tpu.memory_space<smem>>
    %swap3A_212 = arith.constant 4096 : i32
    %swap3A_213 = arith.constant 0 : index
    %swap3A_214 = arith.constant 8 : index
    %swap3A_215 = memref.load %arg4[%swap3A_213, %swap3A_214] : memref<1x16xi32, #tpu.memory_space<smem>>
    memref.store %swap3A_212, %arg4[%swap3A_213, %swap3A_214] : memref<1x16xi32, #tpu.memory_space<smem>>
    %concatenate3A = tpu.concatenate %convert_element_type3A_38, %convert_element_type3A_42 in 0 : vector<2048x8xf32>, vector<2048x8xf32> -> vector<4096x8xf32>
    %iota3A_216 = tpu.iota {dimensions = array<i32: 0>} : vector<256x256xi32>
    %iota3A_217 = tpu.iota {dimensions = array<i32: 1>} : vector<256x256xi32>
    %gt3A = arith.cmpi sgt, %iota3A_216, %iota3A_217 : vector<256x256xi32>
    %convert_element_type3A_218 = arith.extui %gt3A : vector<256x256xi1> to vector<256x256xi32>
    %convert_element_type3A_219 = arith.sitofp %convert_element_type3A_218 : vector<256x256xi32> to vector<256x256xf32>
    %broadcast_in_dim3A_220 = arith.constant 0.000000e+00 : f32
    %broadcast_in_dim3A_221 = vector.broadcast %broadcast_in_dim3A_220 : f32 to vector<1x8xf32>
    %slice3A = vector.extract_strided_slice %concatenate3A {offsets = [0, 0], sizes = [256, 8], strides = [1, 1]} : vector<4096x8xf32> to vector<256x8xf32>
    %dot_general3A_222 = arith.constant dense<0.000000e+00> : vector<256x8xf32>
    %dot_general3A_223 = tpu.matmul %convert_element_type3A_219, %slice3A, %dot_general3A_222 {dimension_numbers = #tpu.dot_dimension_numbers<[1], [0], [0], [1], [0, 0, 1, 1], [], []>, precision = #tpu.contract_precision<fp32>, transpose_lhs_hint = false} : vector<256x256xf32>, vector<256x8xf32>, vector<256x8xf32> -> vector<256x8xf32>
    %add3A_224 = vector.broadcast %broadcast_in_dim3A_221 : vector<1x8xf32> to vector<256x8xf32>
    %add3A_225 = arith.addf %dot_general3A_223, %add3A_224 : vector<256x8xf32>
    %reduce_sum3A_226 = arith.constant dense<0.000000e+00> : vector<8xf32>
    %reduce_sum3A_227 = vector.multi_reduction <add>, %slice3A, %reduce_sum3A_226 [0] : vector<256x8xf32> to vector<8xf32>
    %broadcast_in_dim3A_228 = vector.shape_cast %reduce_sum3A_227 : vector<8xf32> to vector<1x8xf32>
    %add3A_229 = arith.addf %broadcast_in_dim3A_221, %broadcast_in_dim3A_228 : vector<1x8xf32>
    %slice3A_230 = vector.extract_strided_slice %concatenate3A {offsets = [256, 0], sizes = [256, 8], strides = [1, 1]} : vector<4096x8xf32> to vector<256x8xf32>
    %dot_general3A_231 = arith.constant dense<0.000000e+00> : vector<256x8xf32>
    %dot_general3A_232 = tpu.matmul %convert_element_type3A_219, %slice3A_230, %dot_general3A_231 {dimension_numbers = #tpu.dot_dimension_numbers<[1], [0], [0], [1], [0, 0, 1, 1], [], []>, precision = #tpu.contract_precision<fp32>, transpose_lhs_hint = false} : vector<256x256xf32>, vector<256x8xf32>, vector<256x8xf32> -> vector<256x8xf32>
    %add3A_233 = vector.broadcast %add3A_229 : vector<1x8xf32> to vector<256x8xf32>
    %add3A_234 = arith.addf %dot_general3A_232, %add3A_233 : vector<256x8xf32>
    %reduce_sum3A_235 = arith.constant dense<0.000000e+00> : vector<8xf32>
    %reduce_sum3A_236 = vector.multi_reduction <add>, %slice3A_230, %reduce_sum3A_235 [0] : vector<256x8xf32> to vector<8xf32>
    %broadcast_in_dim3A_237 = vector.shape_cast %reduce_sum3A_236 : vector<8xf32> to vector<1x8xf32>
    %add3A_238 = arith.addf %add3A_229, %broadcast_in_dim3A_237 : vector<1x8xf32>
    %slice3A_239 = vector.extract_strided_slice %concatenate3A {offsets = [512, 0], sizes = [256, 8], strides = [1, 1]} : vector<4096x8xf32> to vector<256x8xf32>
    %dot_general3A_240 = arith.constant dense<0.000000e+00> : vector<256x8xf32>
    %dot_general3A_241 = tpu.matmul %convert_element_type3A_219, %slice3A_239, %dot_general3A_240 {dimension_numbers = #tpu.dot_dimension_numbers<[1], [0], [0], [1], [0, 0, 1, 1], [], []>, precision = #tpu.contract_precision<fp32>, transpose_lhs_hint = false} : vector<256x256xf32>, vector<256x8xf32>, vector<256x8xf32> -> vector<256x8xf32>
    %add3A_242 = vector.broadcast %add3A_238 : vector<1x8xf32> to vector<256x8xf32>
    %add3A_243 = arith.addf %dot_general3A_241, %add3A_242 : vector<256x8xf32>
    %reduce_sum3A_244 = arith.constant dense<0.000000e+00> : vector<8xf32>
    %reduce_sum3A_245 = vector.multi_reduction <add>, %slice3A_239, %reduce_sum3A_244 [0] : vector<256x8xf32> to vector<8xf32>
    %broadcast_in_dim3A_246 = vector.shape_cast %reduce_sum3A_245 : vector<8xf32> to vector<1x8xf32>
    %add3A_247 = arith.addf %add3A_238, %broadcast_in_dim3A_246 : vector<1x8xf32>
    %slice3A_248 = vector.extract_strided_slice %concatenate3A {offsets = [768, 0], sizes = [256, 8], strides = [1, 1]} : vector<4096x8xf32> to vector<256x8xf32>
    %dot_general3A_249 = arith.constant dense<0.000000e+00> : vector<256x8xf32>
    %dot_general3A_250 = tpu.matmul %convert_element_type3A_219, %slice3A_248, %dot_general3A_249 {dimension_numbers = #tpu.dot_dimension_numbers<[1], [0], [0], [1], [0, 0, 1, 1], [], []>, precision = #tpu.contract_precision<fp32>, transpose_lhs_hint = false} : vector<256x256xf32>, vector<256x8xf32>, vector<256x8xf32> -> vector<256x8xf32>
    %add3A_251 = vector.broadcast %add3A_247 : vector<1x8xf32> to vector<256x8xf32>
    %add3A_252 = arith.addf %dot_general3A_250, %add3A_251 : vector<256x8xf32>
    %reduce_sum3A_253 = arith.constant dense<0.000000e+00> : vector<8xf32>
    %reduce_sum3A_254 = vector.multi_reduction <add>, %slice3A_248, %reduce_sum3A_253 [0] : vector<256x8xf32> to vector<8xf32>
    %broadcast_in_dim3A_255 = vector.shape_cast %reduce_sum3A_254 : vector<8xf32> to vector<1x8xf32>
    %add3A_256 = arith.addf %add3A_247, %broadcast_in_dim3A_255 : vector<1x8xf32>
    %slice3A_257 = vector.extract_strided_slice %concatenate3A {offsets = [1024, 0], sizes = [256, 8], strides = [1, 1]} : vector<4096x8xf32> to vector<256x8xf32>
    %dot_general3A_258 = arith.constant dense<0.000000e+00> : vector<256x8xf32>
    %dot_general3A_259 = tpu.matmul %convert_element_type3A_219, %slice3A_257, %dot_general3A_258 {dimension_numbers = #tpu.dot_dimension_numbers<[1], [0], [0], [1], [0, 0, 1, 1], [], []>, precision = #tpu.contract_precision<fp32>, transpose_lhs_hint = false} : vector<256x256xf32>, vector<256x8xf32>, vector<256x8xf32> -> vector<256x8xf32>
    %add3A_260 = vector.broadcast %add3A_256 : vector<1x8xf32> to vector<256x8xf32>
    %add3A_261 = arith.addf %dot_general3A_259, %add3A_260 : vector<256x8xf32>
    %reduce_sum3A_262 = arith.constant dense<0.000000e+00> : vector<8xf32>
    %reduce_sum3A_263 = vector.multi_reduction <add>, %slice3A_257, %reduce_sum3A_262 [0] : vector<256x8xf32> to vector<8xf32>
    %broadcast_in_dim3A_264 = vector.shape_cast %reduce_sum3A_263 : vector<8xf32> to vector<1x8xf32>
    %add3A_265 = arith.addf %add3A_256, %broadcast_in_dim3A_264 : vector<1x8xf32>
    %slice3A_266 = vector.extract_strided_slice %concatenate3A {offsets = [1280, 0], sizes = [256, 8], strides = [1, 1]} : vector<4096x8xf32> to vector<256x8xf32>
    %dot_general3A_267 = arith.constant dense<0.000000e+00> : vector<256x8xf32>
    %dot_general3A_268 = tpu.matmul %convert_element_type3A_219, %slice3A_266, %dot_general3A_267 {dimension_numbers = #tpu.dot_dimension_numbers<[1], [0], [0], [1], [0, 0, 1, 1], [], []>, precision = #tpu.contract_precision<fp32>, transpose_lhs_hint = false} : vector<256x256xf32>, vector<256x8xf32>, vector<256x8xf32> -> vector<256x8xf32>
    %add3A_269 = vector.broadcast %add3A_265 : vector<1x8xf32> to vector<256x8xf32>
    %add3A_270 = arith.addf %dot_general3A_268, %add3A_269 : vector<256x8xf32>
    %reduce_sum3A_271 = arith.constant dense<0.000000e+00> : vector<8xf32>
    %reduce_sum3A_272 = vector.multi_reduction <add>, %slice3A_266, %reduce_sum3A_271 [0] : vector<256x8xf32> to vector<8xf32>
    %broadcast_in_dim3A_273 = vector.shape_cast %reduce_sum3A_272 : vector<8xf32> to vector<1x8xf32>
    %add3A_274 = arith.addf %add3A_265, %broadcast_in_dim3A_273 : vector<1x8xf32>
    %slice3A_275 = vector.extract_strided_slice %concatenate3A {offsets = [1536, 0], sizes = [256, 8], strides = [1, 1]} : vector<4096x8xf32> to vector<256x8xf32>
    %dot_general3A_276 = arith.constant dense<0.000000e+00> : vector<256x8xf32>
    %dot_general3A_277 = tpu.matmul %convert_element_type3A_219, %slice3A_275, %dot_general3A_276 {dimension_numbers = #tpu.dot_dimension_numbers<[1], [0], [0], [1], [0, 0, 1, 1], [], []>, precision = #tpu.contract_precision<fp32>, transpose_lhs_hint = false} : vector<256x256xf32>, vector<256x8xf32>, vector<256x8xf32> -> vector<256x8xf32>
    %add3A_278 = vector.broadcast %add3A_274 : vector<1x8xf32> to vector<256x8xf32>
    %add3A_279 = arith.addf %dot_general3A_277, %add3A_278 : vector<256x8xf32>
    %reduce_sum3A_280 = arith.constant dense<0.000000e+00> : vector<8xf32>
    %reduce_sum3A_281 = vector.multi_reduction <add>, %slice3A_275, %reduce_sum3A_280 [0] : vector<256x8xf32> to vector<8xf32>
    %broadcast_in_dim3A_282 = vector.shape_cast %reduce_sum3A_281 : vector<8xf32> to vector<1x8xf32>
    %add3A_283 = arith.addf %add3A_274, %broadcast_in_dim3A_282 : vector<1x8xf32>
    %slice3A_284 = vector.extract_strided_slice %concatenate3A {offsets = [1792, 0], sizes = [256, 8], strides = [1, 1]} : vector<4096x8xf32> to vector<256x8xf32>
    %dot_general3A_285 = arith.constant dense<0.000000e+00> : vector<256x8xf32>
    %dot_general3A_286 = tpu.matmul %convert_element_type3A_219, %slice3A_284, %dot_general3A_285 {dimension_numbers = #tpu.dot_dimension_numbers<[1], [0], [0], [1], [0, 0, 1, 1], [], []>, precision = #tpu.contract_precision<fp32>, transpose_lhs_hint = false} : vector<256x256xf32>, vector<256x8xf32>, vector<256x8xf32> -> vector<256x8xf32>
    %add3A_287 = vector.broadcast %add3A_283 : vector<1x8xf32> to vector<256x8xf32>
    %add3A_288 = arith.addf %dot_general3A_286, %add3A_287 : vector<256x8xf32>
    %reduce_sum3A_289 = arith.constant dense<0.000000e+00> : vector<8xf32>
    %reduce_sum3A_290 = vector.multi_reduction <add>, %slice3A_284, %reduce_sum3A_289 [0] : vector<256x8xf32> to vector<8xf32>
    %broadcast_in_dim3A_291 = vector.shape_cast %reduce_sum3A_290 : vector<8xf32> to vector<1x8xf32>
    %add3A_292 = arith.addf %add3A_283, %broadcast_in_dim3A_291 : vector<1x8xf32>
    %slice3A_293 = vector.extract_strided_slice %concatenate3A {offsets = [2048, 0], sizes = [256, 8], strides = [1, 1]} : vector<4096x8xf32> to vector<256x8xf32>
    %dot_general3A_294 = arith.constant dense<0.000000e+00> : vector<256x8xf32>
    %dot_general3A_295 = tpu.matmul %convert_element_type3A_219, %slice3A_293, %dot_general3A_294 {dimension_numbers = #tpu.dot_dimension_numbers<[1], [0], [0], [1], [0, 0, 1, 1], [], []>, precision = #tpu.contract_precision<fp32>, transpose_lhs_hint = false} : vector<256x256xf32>, vector<256x8xf32>, vector<256x8xf32> -> vector<256x8xf32>
    %add3A_296 = vector.broadcast %add3A_292 : vector<1x8xf32> to vector<256x8xf32>
    %add3A_297 = arith.addf %dot_general3A_295, %add3A_296 : vector<256x8xf32>
    %reduce_sum3A_298 = arith.constant dense<0.000000e+00> : vector<8xf32>
    %reduce_sum3A_299 = vector.multi_reduction <add>, %slice3A_293, %reduce_sum3A_298 [0] : vector<256x8xf32> to vector<8xf32>
    %broadcast_in_dim3A_300 = vector.shape_cast %reduce_sum3A_299 : vector<8xf32> to vector<1x8xf32>
    %add3A_301 = arith.addf %add3A_292, %broadcast_in_dim3A_300 : vector<1x8xf32>
    %slice3A_302 = vector.extract_strided_slice %concatenate3A {offsets = [2304, 0], sizes = [256, 8], strides = [1, 1]} : vector<4096x8xf32> to vector<256x8xf32>
    %dot_general3A_303 = arith.constant dense<0.000000e+00> : vector<256x8xf32>
    %dot_general3A_304 = tpu.matmul %convert_element_type3A_219, %slice3A_302, %dot_general3A_303 {dimension_numbers = #tpu.dot_dimension_numbers<[1], [0], [0], [1], [0, 0, 1, 1], [], []>, precision = #tpu.contract_precision<fp32>, transpose_lhs_hint = false} : vector<256x256xf32>, vector<256x8xf32>, vector<256x8xf32> -> vector<256x8xf32>
    %add3A_305 = vector.broadcast %add3A_301 : vector<1x8xf32> to vector<256x8xf32>
    %add3A_306 = arith.addf %dot_general3A_304, %add3A_305 : vector<256x8xf32>
    %reduce_sum3A_307 = arith.constant dense<0.000000e+00> : vector<8xf32>
    %reduce_sum3A_308 = vector.multi_reduction <add>, %slice3A_302, %reduce_sum3A_307 [0] : vector<256x8xf32> to vector<8xf32>
    %broadcast_in_dim3A_309 = vector.shape_cast %reduce_sum3A_308 : vector<8xf32> to vector<1x8xf32>
    %add3A_310 = arith.addf %add3A_301, %broadcast_in_dim3A_309 : vector<1x8xf32>
    %slice3A_311 = vector.extract_strided_slice %concatenate3A {offsets = [2560, 0], sizes = [256, 8], strides = [1, 1]} : vector<4096x8xf32> to vector<256x8xf32>
    %dot_general3A_312 = arith.constant dense<0.000000e+00> : vector<256x8xf32>
    %dot_general3A_313 = tpu.matmul %convert_element_type3A_219, %slice3A_311, %dot_general3A_312 {dimension_numbers = #tpu.dot_dimension_numbers<[1], [0], [0], [1], [0, 0, 1, 1], [], []>, precision = #tpu.contract_precision<fp32>, transpose_lhs_hint = false} : vector<256x256xf32>, vector<256x8xf32>, vector<256x8xf32> -> vector<256x8xf32>
    %add3A_314 = vector.broadcast %add3A_310 : vector<1x8xf32> to vector<256x8xf32>
    %add3A_315 = arith.addf %dot_general3A_313, %add3A_314 : vector<256x8xf32>
    %reduce_sum3A_316 = arith.constant dense<0.000000e+00> : vector<8xf32>
    %reduce_sum3A_317 = vector.multi_reduction <add>, %slice3A_311, %reduce_sum3A_316 [0] : vector<256x8xf32> to vector<8xf32>
    %broadcast_in_dim3A_318 = vector.shape_cast %reduce_sum3A_317 : vector<8xf32> to vector<1x8xf32>
    %add3A_319 = arith.addf %add3A_310, %broadcast_in_dim3A_318 : vector<1x8xf32>
    %slice3A_320 = vector.extract_strided_slice %concatenate3A {offsets = [2816, 0], sizes = [256, 8], strides = [1, 1]} : vector<4096x8xf32> to vector<256x8xf32>
    %dot_general3A_321 = arith.constant dense<0.000000e+00> : vector<256x8xf32>
    %dot_general3A_322 = tpu.matmul %convert_element_type3A_219, %slice3A_320, %dot_general3A_321 {dimension_numbers = #tpu.dot_dimension_numbers<[1], [0], [0], [1], [0, 0, 1, 1], [], []>, precision = #tpu.contract_precision<fp32>, transpose_lhs_hint = false} : vector<256x256xf32>, vector<256x8xf32>, vector<256x8xf32> -> vector<256x8xf32>
    %add3A_323 = vector.broadcast %add3A_319 : vector<1x8xf32> to vector<256x8xf32>
    %add3A_324 = arith.addf %dot_general3A_322, %add3A_323 : vector<256x8xf32>
    %reduce_sum3A_325 = arith.constant dense<0.000000e+00> : vector<8xf32>
    %reduce_sum3A_326 = vector.multi_reduction <add>, %slice3A_320, %reduce_sum3A_325 [0] : vector<256x8xf32> to vector<8xf32>
    %broadcast_in_dim3A_327 = vector.shape_cast %reduce_sum3A_326 : vector<8xf32> to vector<1x8xf32>
    %add3A_328 = arith.addf %add3A_319, %broadcast_in_dim3A_327 : vector<1x8xf32>
    %slice3A_329 = vector.extract_strided_slice %concatenate3A {offsets = [3072, 0], sizes = [256, 8], strides = [1, 1]} : vector<4096x8xf32> to vector<256x8xf32>
    %dot_general3A_330 = arith.constant dense<0.000000e+00> : vector<256x8xf32>
    %dot_general3A_331 = tpu.matmul %convert_element_type3A_219, %slice3A_329, %dot_general3A_330 {dimension_numbers = #tpu.dot_dimension_numbers<[1], [0], [0], [1], [0, 0, 1, 1], [], []>, precision = #tpu.contract_precision<fp32>, transpose_lhs_hint = false} : vector<256x256xf32>, vector<256x8xf32>, vector<256x8xf32> -> vector<256x8xf32>
    %add3A_332 = vector.broadcast %add3A_328 : vector<1x8xf32> to vector<256x8xf32>
    %add3A_333 = arith.addf %dot_general3A_331, %add3A_332 : vector<256x8xf32>
    %reduce_sum3A_334 = arith.constant dense<0.000000e+00> : vector<8xf32>
    %reduce_sum3A_335 = vector.multi_reduction <add>, %slice3A_329, %reduce_sum3A_334 [0] : vector<256x8xf32> to vector<8xf32>
    %broadcast_in_dim3A_336 = vector.shape_cast %reduce_sum3A_335 : vector<8xf32> to vector<1x8xf32>
    %add3A_337 = arith.addf %add3A_328, %broadcast_in_dim3A_336 : vector<1x8xf32>
    %slice3A_338 = vector.extract_strided_slice %concatenate3A {offsets = [3328, 0], sizes = [256, 8], strides = [1, 1]} : vector<4096x8xf32> to vector<256x8xf32>
    %dot_general3A_339 = arith.constant dense<0.000000e+00> : vector<256x8xf32>
    %dot_general3A_340 = tpu.matmul %convert_element_type3A_219, %slice3A_338, %dot_general3A_339 {dimension_numbers = #tpu.dot_dimension_numbers<[1], [0], [0], [1], [0, 0, 1, 1], [], []>, precision = #tpu.contract_precision<fp32>, transpose_lhs_hint = false} : vector<256x256xf32>, vector<256x8xf32>, vector<256x8xf32> -> vector<256x8xf32>
    %add3A_341 = vector.broadcast %add3A_337 : vector<1x8xf32> to vector<256x8xf32>
    %add3A_342 = arith.addf %dot_general3A_340, %add3A_341 : vector<256x8xf32>
    %reduce_sum3A_343 = arith.constant dense<0.000000e+00> : vector<8xf32>
    %reduce_sum3A_344 = vector.multi_reduction <add>, %slice3A_338, %reduce_sum3A_343 [0] : vector<256x8xf32> to vector<8xf32>
    %broadcast_in_dim3A_345 = vector.shape_cast %reduce_sum3A_344 : vector<8xf32> to vector<1x8xf32>
    %add3A_346 = arith.addf %add3A_337, %broadcast_in_dim3A_345 : vector<1x8xf32>
    %slice3A_347 = vector.extract_strided_slice %concatenate3A {offsets = [3584, 0], sizes = [256, 8], strides = [1, 1]} : vector<4096x8xf32> to vector<256x8xf32>
    %dot_general3A_348 = arith.constant dense<0.000000e+00> : vector<256x8xf32>
    %dot_general3A_349 = tpu.matmul %convert_element_type3A_219, %slice3A_347, %dot_general3A_348 {dimension_numbers = #tpu.dot_dimension_numbers<[1], [0], [0], [1], [0, 0, 1, 1], [], []>, precision = #tpu.contract_precision<fp32>, transpose_lhs_hint = false} : vector<256x256xf32>, vector<256x8xf32>, vector<256x8xf32> -> vector<256x8xf32>
    %add3A_350 = vector.broadcast %add3A_346 : vector<1x8xf32> to vector<256x8xf32>
    %add3A_351 = arith.addf %dot_general3A_349, %add3A_350 : vector<256x8xf32>
    %reduce_sum3A_352 = arith.constant dense<0.000000e+00> : vector<8xf32>
    %reduce_sum3A_353 = vector.multi_reduction <add>, %slice3A_347, %reduce_sum3A_352 [0] : vector<256x8xf32> to vector<8xf32>
    %broadcast_in_dim3A_354 = vector.shape_cast %reduce_sum3A_353 : vector<8xf32> to vector<1x8xf32>
    %add3A_355 = arith.addf %add3A_346, %broadcast_in_dim3A_354 : vector<1x8xf32>
    %slice3A_356 = vector.extract_strided_slice %concatenate3A {offsets = [3840, 0], sizes = [256, 8], strides = [1, 1]} : vector<4096x8xf32> to vector<256x8xf32>
    %dot_general3A_357 = arith.constant dense<0.000000e+00> : vector<256x8xf32>
    %dot_general3A_358 = tpu.matmul %convert_element_type3A_219, %slice3A_356, %dot_general3A_357 {dimension_numbers = #tpu.dot_dimension_numbers<[1], [0], [0], [1], [0, 0, 1, 1], [], []>, precision = #tpu.contract_precision<fp32>, transpose_lhs_hint = false} : vector<256x256xf32>, vector<256x8xf32>, vector<256x8xf32> -> vector<256x8xf32>
    %add3A_359 = vector.broadcast %add3A_355 : vector<1x8xf32> to vector<256x8xf32>
    %add3A_360 = arith.addf %dot_general3A_358, %add3A_359 : vector<256x8xf32>
    %concatenate3A_361 = tpu.concatenate %add3A_225, %add3A_234, %add3A_243, %add3A_252, %add3A_261, %add3A_270, %add3A_279, %add3A_288, %add3A_297, %add3A_306, %add3A_315, %add3A_324, %add3A_333, %add3A_342, %add3A_351, %add3A_360 in 0 : vector<256x8xf32>, vector<256x8xf32>, vector<256x8xf32>, vector<256x8xf32>, vector<256x8xf32>, vector<256x8xf32>, vector<256x8xf32>, vector<256x8xf32>, vector<256x8xf32>, vector<256x8xf32>, vector<256x8xf32>, vector<256x8xf32>, vector<256x8xf32>, vector<256x8xf32>, vector<256x8xf32>, vector<256x8xf32> -> vector<4096x8xf32>
    %add3A_362 = vector.broadcast %dot_general3A_90 : vector<1x8xf32> to vector<4096x8xf32>
    %add3A_363 = arith.addf %concatenate3A_361, %add3A_362 : vector<4096x8xf32>
    %mul3A_364 = arith.mulf %concatenate3A, %add3A_363 : vector<4096x8xf32>
    %reduce_sum3A_365 = arith.constant dense<0.000000e+00> : vector<4096xf32>
    %reduce_sum3A_366 = vector.multi_reduction <add>, %mul3A_364, %reduce_sum3A_365 [1] : vector<4096x8xf32> to vector<4096xf32>
    %broadcast_in_dim3A_367 = vector.shape_cast %reduce_sum3A_366 : vector<4096xf32> to vector<4096x1xf32>
    %convert_element_type3A_368 = arith.fptosi %broadcast_in_dim3A_367 : vector<4096x1xf32> to vector<4096x1xi32>
    %swap3A_369 = arith.constant 0 : index
    %swap3A_370 = arith.constant 0 : index
    %swap3A_371 = vector.load %arg2[%swap3A_369, %swap3A_370] : memref<4096x1xi32, #tpu.memory_space<vmem>>, vector<4096x1xi32>
    tpu.vector_store %arg2[%swap3A_369, %swap3A_370], %convert_element_type3A_368 {strides = array<i32>} : memref<4096x1xi32, #tpu.memory_space<vmem>>, vector<4096x1xi32>,
    return
  }
}

module attributes {stable_mosaic.version = 14 : i64} {
  func.func @_gffn_body(%arg0: i32, %arg1: i32, %arg2: memref<1x16xi32, #tpu.memory_space<smem>>, %arg3: memref<4096x768xf32, #tpu.memory_space<vmem>>, %arg4: memref<1x768x1536xf32, #tpu.memory_space<vmem>>, %arg5: memref<1x1x1x1536xf32, #tpu.memory_space<vmem>>, %arg6: memref<1x1536x768xf32, #tpu.memory_space<vmem>>, %arg7: memref<1x1x768xf32, #tpu.memory_space<vmem>>, %arg8: memref<4096x768xf32, #tpu.memory_space<vmem>>, %arg9: memref<768x1536xbf16, #tpu.memory_space<vmem>>, %arg10: memref<1536x768xbf16, #tpu.memory_space<vmem>>) attributes {dimension_semantics = [#tpu.dimension_semantics<arbitrary>, #tpu.dimension_semantics<arbitrary>], iteration_bounds = array<i64: 8, 2>, scalar_prefetch = 0 : i64, scratch_operands = 2 : i64, tpu.core_type = #tpu.core_type<tc>, window_params = [{transform_indices = @transform_0, window_bounds = array<i64: 1, 16>}, {pipeline_mode = #tpu.pipeline_mode<synchronous>, transform_indices = @transform_1, window_bounds = array<i64: 4096, 768>}, {transform_indices = @transform_2, window_bounds = array<i64: 1, 768, 1536>}, {transform_indices = @transform_3, window_bounds = array<i64: 1, 1, 1, 1536>}, {transform_indices = @transform_4, window_bounds = array<i64: 1, 1536, 768>}, {transform_indices = @transform_5, window_bounds = array<i64: 1, 1, 768>}, {pipeline_mode = #tpu.pipeline_mode<synchronous>, transform_indices = @transform_6, window_bounds = array<i64: 4096, 768>}]} {
    %get3A = arith.constant 0 : index
    %get3A_0 = arith.constant 0 : index
    %get3A_1 = arith.constant 0 : index
    %get3A_2 = vector.load %arg4[%get3A, %get3A_0, %get3A_1] : memref<1x768x1536xf32, #tpu.memory_space<vmem>>, vector<1x768x1536xf32>
    %get3A_3 = vector.shape_cast %get3A_2 : vector<1x768x1536xf32> to vector<768x1536xf32>
    %convert_element_type3A = arith.truncf %get3A_3 : vector<768x1536xf32> to vector<768x1536xbf16>
    %swap3A = arith.constant 0 : index
    %swap3A_4 = arith.constant 0 : index
    %swap3A_5 = vector.load %arg9[%swap3A, %swap3A_4] : memref<768x1536xbf16, #tpu.memory_space<vmem>>, vector<768x1536xbf16>
    tpu.vector_store %arg9[%swap3A, %swap3A_4], %convert_element_type3A {strides = array<i32>} : memref<768x1536xbf16, #tpu.memory_space<vmem>>, vector<768x1536xbf16>,
    %get3A_6 = arith.constant 0 : index
    %get3A_7 = arith.constant 0 : index
    %get3A_8 = arith.constant 0 : index
    %get3A_9 = vector.load %arg6[%get3A_6, %get3A_7, %get3A_8] : memref<1x1536x768xf32, #tpu.memory_space<vmem>>, vector<1x1536x768xf32>
    %get3A_10 = vector.shape_cast %get3A_9 : vector<1x1536x768xf32> to vector<1536x768xf32>
    %convert_element_type3A_11 = arith.truncf %get3A_10 : vector<1536x768xf32> to vector<1536x768xbf16>
    %swap3A_12 = arith.constant 0 : index
    %swap3A_13 = arith.constant 0 : index
    %swap3A_14 = vector.load %arg10[%swap3A_12, %swap3A_13] : memref<1536x768xbf16, #tpu.memory_space<vmem>>, vector<1536x768xbf16>
    tpu.vector_store %arg10[%swap3A_12, %swap3A_13], %convert_element_type3A_11 {strides = array<i32>} : memref<1536x768xbf16, #tpu.memory_space<vmem>>, vector<1536x768xbf16>,
    %get3A_15 = arith.constant 0 : index
    %get3A_16 = arith.index_cast %arg0 : i32 to index
    %get3A_17 = memref.load %arg2[%get3A_15, %get3A_16] : memref<1x16xi32, #tpu.memory_space<smem>>
    %add3A = arith.constant 1 : i32
    %add3A_18 = arith.addi %arg0, %add3A : i32
    %get3A_19 = arith.constant 0 : index
    %get3A_20 = arith.index_cast %add3A_18 : i32 to index
    %get3A_21 = memref.load %arg2[%get3A_19, %get3A_20] : memref<1x16xi32, #tpu.memory_space<smem>>
    %jit3A = arith.constant 256 : i32
    %div3A = arith.divsi %get3A_17, %jit3A : i32
    %sign3A = arith.constant 0 : i32
    %sign3A_22 = arith.cmpi sgt, %get3A_17, %sign3A : i32
    %sign3A_23 = arith.extui %sign3A_22 : i1 to i32
    %sign3A_24 = arith.constant 0 : i32
    %sign3A_25 = arith.cmpi slt, %get3A_17, %sign3A_24 : i32
    %sign3A_26 = arith.extui %sign3A_25 : i1 to i32
    %sign3A_27 = arith.subi %sign3A_23, %sign3A_26 : i32
    %sign3A_28 = arith.constant 0 : i32
    %sign3A_29 = arith.cmpi sgt, %jit3A, %sign3A_28 : i32
    %sign3A_30 = arith.extui %sign3A_29 : i1 to i32
    %sign3A_31 = arith.constant 0 : i32
    %sign3A_32 = arith.cmpi slt, %jit3A, %sign3A_31 : i32
    %sign3A_33 = arith.extui %sign3A_32 : i1 to i32
    %sign3A_34 = arith.subi %sign3A_30, %sign3A_33 : i32
    %ne3A = arith.cmpi ne, %sign3A_27, %sign3A_34 : i32
    %rem3A = arith.remsi %get3A_17, %jit3A : i32
    %ne3A_35 = arith.constant 0 : i32
    %ne3A_36 = arith.cmpi ne, %rem3A, %ne3A_35 : i32
    %and3A = arith.andi %ne3A, %ne3A_36 : i1
    %sub3A = arith.constant 1 : i32
    %sub3A_37 = arith.subi %div3A, %sub3A : i32
    %select_n3A = arith.select %and3A, %sub3A_37, %div3A : i32
    %add3A_38 = arith.constant 256 : i32
    %add3A_39 = arith.addi %get3A_21, %add3A_38 : i32
    %sub3A_40 = arith.constant 1 : i32
    %sub3A_41 = arith.subi %add3A_39, %sub3A_40 : i32
    %jit3A_42 = arith.constant 256 : i32
    %div3A_43 = arith.divsi %sub3A_41, %jit3A_42 : i32
    %sign3A_44 = arith.constant 0 : i32
    %sign3A_45 = arith.cmpi sgt, %sub3A_41, %sign3A_44 : i32
    %sign3A_46 = arith.extui %sign3A_45 : i1 to i32
    %sign3A_47 = arith.constant 0 : i32
    %sign3A_48 = arith.cmpi slt, %sub3A_41, %sign3A_47 : i32
    %sign3A_49 = arith.extui %sign3A_48 : i1 to i32
    %sign3A_50 = arith.subi %sign3A_46, %sign3A_49 : i32
    %sign3A_51 = arith.constant 0 : i32
    %sign3A_52 = arith.cmpi sgt, %jit3A_42, %sign3A_51 : i32
    %sign3A_53 = arith.extui %sign3A_52 : i1 to i32
    %sign3A_54 = arith.constant 0 : i32
    %sign3A_55 = arith.cmpi slt, %jit3A_42, %sign3A_54 : i32
    %sign3A_56 = arith.extui %sign3A_55 : i1 to i32
    %sign3A_57 = arith.subi %sign3A_53, %sign3A_56 : i32
    %ne3A_58 = arith.cmpi ne, %sign3A_50, %sign3A_57 : i32
    %rem3A_59 = arith.remsi %sub3A_41, %jit3A_42 : i32
    %ne3A_60 = arith.constant 0 : i32
    %ne3A_61 = arith.cmpi ne, %rem3A_59, %ne3A_60 : i32
    %and3A_62 = arith.andi %ne3A_58, %ne3A_61 : i1
    %sub3A_63 = arith.constant 1 : i32
    %sub3A_64 = arith.subi %div3A_43, %sub3A_63 : i32
    %select_n3A_65 = arith.select %and3A_62, %sub3A_64, %div3A_43 : i32
    %while3A = arith.constant 0 : i32
    %while3A_66 = arith.subi %select_n3A_65, %select_n3A : i32
    %while3A_67 = arith.addi %select_n3A, %while3A_66 : i32
    %while3A_68 = arith.constant 1 : i32
    %while3A_69 = arith.divsi %while3A_66, %while3A_68 : i32
    %while3A_70 = arith.muli %while3A_69, %while3A_68 : i32
    %while3A_71 = arith.addi %select_n3A, %while3A_70 : i32
    %while3A_72 = arith.constant 1 : i32
    scf.for %while3A_74 = %select_n3A to %while3A_71 step %while3A_72  : i32 {
      %mul3A = arith.constant 256 : i32
      %mul3A_75 = arith.muli %while3A_74, %mul3A : i32
      %multiple_of3A = tpu.assume_multiple %mul3A_75, 256 : i32
      %max3A = arith.maxsi %get3A_17, %multiple_of3A : i32
      %add3A_76 = arith.constant 256 : i32
      %add3A_77 = arith.addi %multiple_of3A, %add3A_76 : i32
      %min3A = arith.minsi %get3A_21, %add3A_77 : i32
      %get3A_78 = arith.index_cast %multiple_of3A : i32 to index
      %get3A_79 = arith.constant 0 : index
      %get3A_80 = vector.load %arg3[%get3A_78, %get3A_79] : memref<4096x768xf32, #tpu.memory_space<vmem>>, vector<256x768xf32>
      %convert_element_type3A_81 = arith.truncf %get3A_80 : vector<256x768xf32> to vector<256x768xbf16>
      %get3A_82 = arith.constant 0 : index
      %get3A_83 = arith.constant 0 : index
      %get3A_84 = vector.load %arg9[%get3A_82, %get3A_83] : memref<768x1536xbf16, #tpu.memory_space<vmem>>, vector<768x1536xbf16>
      %dot_general3A = arith.constant dense<0.000000e+00> : vector<256x1536xf32>
      %dot_general3A_85 = tpu.matmul %convert_element_type3A_81, %get3A_84, %dot_general3A {dimension_numbers = #tpu.dot_dimension_numbers<[1], [0], [0], [1], [0, 0, 1, 1], [], []>, transpose_lhs_hint = false} : vector<256x768xbf16>, vector<768x1536xbf16>, vector<256x1536xf32> -> vector<256x1536xf32>
      %get3A_86 = arith.constant 0 : index
      %get3A_87 = arith.constant 0 : index
      %get3A_88 = arith.constant 0 : index
      %get3A_89 = arith.constant 0 : index
      %get3A_90 = vector.load %arg5[%get3A_86, %get3A_87, %get3A_88, %get3A_89] : memref<1x1x1x1536xf32, #tpu.memory_space<vmem>>, vector<1x1x1x1536xf32>
      %get3A_91 = vector.shape_cast %get3A_90 : vector<1x1x1x1536xf32> to vector<1x1536xf32>
      %add3A_92 = vector.broadcast %get3A_91 : vector<1x1536xf32> to vector<256x1536xf32>
      %add3A_93 = arith.addf %dot_general3A_85, %add3A_92 : vector<256x1536xf32>
      %mul3A_94 = arith.constant 5.000000e-01 : f32
      %mul3A_95 = vector.broadcast %mul3A_94 : f32 to vector<256x1536xf32>
      %mul3A_96 = arith.mulf %mul3A_95, %add3A_93 : vector<256x1536xf32>
      %mul3A_97 = arith.constant 0.707106769 : f32
      %mul3A_98 = vector.broadcast %mul3A_97 : f32 to vector<256x1536xf32>
      %mul3A_99 = arith.mulf %add3A_93, %mul3A_98 : vector<256x1536xf32>
      %erf3A = math.erf %mul3A_99 : vector<256x1536xf32>
      %add3A_100 = arith.constant 1.000000e+00 : f32
      %add3A_101 = vector.broadcast %add3A_100 : f32 to vector<256x1536xf32>
      %add3A_102 = arith.addf %add3A_101, %erf3A : vector<256x1536xf32>
      %mul3A_103 = arith.mulf %mul3A_96, %add3A_102 : vector<256x1536xf32>
      %convert_element_type3A_104 = arith.truncf %mul3A_103 : vector<256x1536xf32> to vector<256x1536xbf16>
      %get3A_105 = arith.constant 0 : index
      %get3A_106 = arith.constant 0 : index
      %get3A_107 = vector.load %arg10[%get3A_105, %get3A_106] : memref<1536x768xbf16, #tpu.memory_space<vmem>>, vector<1536x768xbf16>
      %dot_general3A_108 = arith.constant dense<0.000000e+00> : vector<256x768xf32>
      %dot_general3A_109 = tpu.matmul %convert_element_type3A_104, %get3A_107, %dot_general3A_108 {dimension_numbers = #tpu.dot_dimension_numbers<[1], [0], [0], [1], [0, 0, 1, 1], [], []>, transpose_lhs_hint = false} : vector<256x1536xbf16>, vector<1536x768xbf16>, vector<256x768xf32> -> vector<256x768xf32>
      %iota3A = tpu.iota {dimensions = array<i32: 0>} : vector<256x768xi32>
      %add3A_110 = vector.broadcast %multiple_of3A : i32 to vector<256x768xi32>
      %add3A_111 = arith.addi %add3A_110, %iota3A : vector<256x768xi32>
      %ge3A = vector.broadcast %max3A : i32 to vector<256x768xi32>
      %ge3A_112 = arith.cmpi sge, %add3A_111, %ge3A : vector<256x768xi32>
      %lt3A = vector.broadcast %min3A : i32 to vector<256x768xi32>
      %lt3A_113 = arith.cmpi slt, %add3A_111, %lt3A : vector<256x768xi32>
      %and3A_114 = arith.andi %ge3A_112, %lt3A_113 : vector<256x768xi1>
      %eq3A = arith.constant 0 : i32
      %eq3A_115 = arith.cmpi eq, %arg1, %eq3A : i32
      %convert_element_type3A_116 = arith.extui %eq3A_115 : i1 to i32
      %cond3A = arith.constant 0 : i32
      %cond3A_117 = arith.cmpi ne, %convert_element_type3A_116, %cond3A : i32
      scf.if %cond3A_117 {
        %get3A_123 = arith.constant 0 : index
        %get3A_124 = arith.constant 0 : index
        %get3A_125 = arith.constant 0 : index
        %get3A_126 = vector.load %arg7[%get3A_123, %get3A_124, %get3A_125] : memref<1x1x768xf32, #tpu.memory_space<vmem>>, vector<1x1x768xf32>
        %get3A_127 = vector.shape_cast %get3A_126 : vector<1x1x768xf32> to vector<768xf32>
        %broadcast_in_dim3A = vector.shape_cast %get3A_127 : vector<768xf32> to vector<1x768xf32>
        %add3A_128 = vector.broadcast %broadcast_in_dim3A : vector<1x768xf32> to vector<256x768xf32>
        %add3A_129 = arith.addf %dot_general3A_109, %add3A_128 : vector<256x768xf32>
        %get3A_130 = arith.index_cast %multiple_of3A : i32 to index
        %get3A_131 = arith.constant 0 : index
        %get3A_132 = vector.load %arg8[%get3A_130, %get3A_131] : memref<4096x768xf32, #tpu.memory_space<vmem>>, vector<256x768xf32>
        %select_n3A_133 = arith.select %and3A_114, %add3A_129, %get3A_132 : vector<256x768xi1>, vector<256x768xf32>
        %swap3A_134 = arith.index_cast %multiple_of3A : i32 to index
        %swap3A_135 = arith.constant 0 : index
        %swap3A_136 = vector.load %arg8[%swap3A_134, %swap3A_135] : memref<4096x768xf32, #tpu.memory_space<vmem>>, vector<256x768xf32>
        tpu.vector_store %arg8[%swap3A_134, %swap3A_135], %select_n3A_133 {strides = array<i32>} : memref<4096x768xf32, #tpu.memory_space<vmem>>, vector<256x768xf32>,
      } else {
      }
      %ne3A_118 = arith.constant 0 : i32
      %ne3A_119 = arith.cmpi ne, %arg1, %ne3A_118 : i32
      %convert_element_type3A_120 = arith.extui %ne3A_119 : i1 to i32
      %cond3A_121 = arith.constant 0 : i32
      %cond3A_122 = arith.cmpi ne, %convert_element_type3A_120, %cond3A_121 : i32
      scf.if %cond3A_122 {
        %get3A_123 = arith.index_cast %multiple_of3A : i32 to index
        %get3A_124 = arith.constant 0 : index
        %get3A_125 = vector.load %arg8[%get3A_123, %get3A_124] : memref<4096x768xf32, #tpu.memory_space<vmem>>, vector<256x768xf32>
        %add3A_126 = arith.addf %get3A_125, %dot_general3A_109 : vector<256x768xf32>
        %select_n3A_127 = arith.select %and3A_114, %add3A_126, %get3A_125 : vector<256x768xi1>, vector<256x768xf32>
        %swap3A_128 = arith.index_cast %multiple_of3A : i32 to index
        %swap3A_129 = arith.constant 0 : index
        %swap3A_130 = vector.load %arg8[%swap3A_128, %swap3A_129] : memref<4096x768xf32, #tpu.memory_space<vmem>>, vector<256x768xf32>
        tpu.vector_store %arg8[%swap3A_128, %swap3A_129], %select_n3A_127 {strides = array<i32>} : memref<4096x768xf32, #tpu.memory_space<vmem>>, vector<256x768xf32>,
      } else {
      }
    }
    %while3A_73 = arith.constant 1 : i32
    scf.for %while3A_74 = %while3A_71 to %while3A_67 step %while3A_73  : i32 {
      %mul3A = arith.constant 256 : i32
      %mul3A_75 = arith.muli %while3A_74, %mul3A : i32
      %multiple_of3A = tpu.assume_multiple %mul3A_75, 256 : i32
      %max3A = arith.maxsi %get3A_17, %multiple_of3A : i32
      %add3A_76 = arith.constant 256 : i32
      %add3A_77 = arith.addi %multiple_of3A, %add3A_76 : i32
      %min3A = arith.minsi %get3A_21, %add3A_77 : i32
      %get3A_78 = arith.index_cast %multiple_of3A : i32 to index
      %get3A_79 = arith.constant 0 : index
      %get3A_80 = vector.load %arg3[%get3A_78, %get3A_79] : memref<4096x768xf32, #tpu.memory_space<vmem>>, vector<256x768xf32>
      %convert_element_type3A_81 = arith.truncf %get3A_80 : vector<256x768xf32> to vector<256x768xbf16>
      %get3A_82 = arith.constant 0 : index
      %get3A_83 = arith.constant 0 : index
      %get3A_84 = vector.load %arg9[%get3A_82, %get3A_83] : memref<768x1536xbf16, #tpu.memory_space<vmem>>, vector<768x1536xbf16>
      %dot_general3A = arith.constant dense<0.000000e+00> : vector<256x1536xf32>
      %dot_general3A_85 = tpu.matmul %convert_element_type3A_81, %get3A_84, %dot_general3A {dimension_numbers = #tpu.dot_dimension_numbers<[1], [0], [0], [1], [0, 0, 1, 1], [], []>, transpose_lhs_hint = false} : vector<256x768xbf16>, vector<768x1536xbf16>, vector<256x1536xf32> -> vector<256x1536xf32>
      %get3A_86 = arith.constant 0 : index
      %get3A_87 = arith.constant 0 : index
      %get3A_88 = arith.constant 0 : index
      %get3A_89 = arith.constant 0 : index
      %get3A_90 = vector.load %arg5[%get3A_86, %get3A_87, %get3A_88, %get3A_89] : memref<1x1x1x1536xf32, #tpu.memory_space<vmem>>, vector<1x1x1x1536xf32>
      %get3A_91 = vector.shape_cast %get3A_90 : vector<1x1x1x1536xf32> to vector<1x1536xf32>
      %add3A_92 = vector.broadcast %get3A_91 : vector<1x1536xf32> to vector<256x1536xf32>
      %add3A_93 = arith.addf %dot_general3A_85, %add3A_92 : vector<256x1536xf32>
      %mul3A_94 = arith.constant 5.000000e-01 : f32
      %mul3A_95 = vector.broadcast %mul3A_94 : f32 to vector<256x1536xf32>
      %mul3A_96 = arith.mulf %mul3A_95, %add3A_93 : vector<256x1536xf32>
      %mul3A_97 = arith.constant 0.707106769 : f32
      %mul3A_98 = vector.broadcast %mul3A_97 : f32 to vector<256x1536xf32>
      %mul3A_99 = arith.mulf %add3A_93, %mul3A_98 : vector<256x1536xf32>
      %erf3A = math.erf %mul3A_99 : vector<256x1536xf32>
      %add3A_100 = arith.constant 1.000000e+00 : f32
      %add3A_101 = vector.broadcast %add3A_100 : f32 to vector<256x1536xf32>
      %add3A_102 = arith.addf %add3A_101, %erf3A : vector<256x1536xf32>
      %mul3A_103 = arith.mulf %mul3A_96, %add3A_102 : vector<256x1536xf32>
      %convert_element_type3A_104 = arith.truncf %mul3A_103 : vector<256x1536xf32> to vector<256x1536xbf16>
      %get3A_105 = arith.constant 0 : index
      %get3A_106 = arith.constant 0 : index
      %get3A_107 = vector.load %arg10[%get3A_105, %get3A_106] : memref<1536x768xbf16, #tpu.memory_space<vmem>>, vector<1536x768xbf16>
      %dot_general3A_108 = arith.constant dense<0.000000e+00> : vector<256x768xf32>
      %dot_general3A_109 = tpu.matmul %convert_element_type3A_104, %get3A_107, %dot_general3A_108 {dimension_numbers = #tpu.dot_dimension_numbers<[1], [0], [0], [1], [0, 0, 1, 1], [], []>, transpose_lhs_hint = false} : vector<256x1536xbf16>, vector<1536x768xbf16>, vector<256x768xf32> -> vector<256x768xf32>
      %iota3A = tpu.iota {dimensions = array<i32: 0>} : vector<256x768xi32>
      %add3A_110 = vector.broadcast %multiple_of3A : i32 to vector<256x768xi32>
      %add3A_111 = arith.addi %add3A_110, %iota3A : vector<256x768xi32>
      %ge3A = vector.broadcast %max3A : i32 to vector<256x768xi32>
      %ge3A_112 = arith.cmpi sge, %add3A_111, %ge3A : vector<256x768xi32>
      %lt3A = vector.broadcast %min3A : i32 to vector<256x768xi32>
      %lt3A_113 = arith.cmpi slt, %add3A_111, %lt3A : vector<256x768xi32>
      %and3A_114 = arith.andi %ge3A_112, %lt3A_113 : vector<256x768xi1>
      %eq3A = arith.constant 0 : i32
      %eq3A_115 = arith.cmpi eq, %arg1, %eq3A : i32
      %convert_element_type3A_116 = arith.extui %eq3A_115 : i1 to i32
      %cond3A = arith.constant 0 : i32
      %cond3A_117 = arith.cmpi ne, %convert_element_type3A_116, %cond3A : i32
      scf.if %cond3A_117 {
        %get3A_123 = arith.constant 0 : index
        %get3A_124 = arith.constant 0 : index
        %get3A_125 = arith.constant 0 : index
        %get3A_126 = vector.load %arg7[%get3A_123, %get3A_124, %get3A_125] : memref<1x1x768xf32, #tpu.memory_space<vmem>>, vector<1x1x768xf32>
        %get3A_127 = vector.shape_cast %get3A_126 : vector<1x1x768xf32> to vector<768xf32>
        %broadcast_in_dim3A = vector.shape_cast %get3A_127 : vector<768xf32> to vector<1x768xf32>
        %add3A_128 = vector.broadcast %broadcast_in_dim3A : vector<1x768xf32> to vector<256x768xf32>
        %add3A_129 = arith.addf %dot_general3A_109, %add3A_128 : vector<256x768xf32>
        %get3A_130 = arith.index_cast %multiple_of3A : i32 to index
        %get3A_131 = arith.constant 0 : index
        %get3A_132 = vector.load %arg8[%get3A_130, %get3A_131] : memref<4096x768xf32, #tpu.memory_space<vmem>>, vector<256x768xf32>
        %select_n3A_133 = arith.select %and3A_114, %add3A_129, %get3A_132 : vector<256x768xi1>, vector<256x768xf32>
        %swap3A_134 = arith.index_cast %multiple_of3A : i32 to index
        %swap3A_135 = arith.constant 0 : index
        %swap3A_136 = vector.load %arg8[%swap3A_134, %swap3A_135] : memref<4096x768xf32, #tpu.memory_space<vmem>>, vector<256x768xf32>
        tpu.vector_store %arg8[%swap3A_134, %swap3A_135], %select_n3A_133 {strides = array<i32>} : memref<4096x768xf32, #tpu.memory_space<vmem>>, vector<256x768xf32>,
      } else {
      }
      %ne3A_118 = arith.constant 0 : i32
      %ne3A_119 = arith.cmpi ne, %arg1, %ne3A_118 : i32
      %convert_element_type3A_120 = arith.extui %ne3A_119 : i1 to i32
      %cond3A_121 = arith.constant 0 : i32
      %cond3A_122 = arith.cmpi ne, %convert_element_type3A_120, %cond3A_121 : i32
      scf.if %cond3A_122 {
        %get3A_123 = arith.index_cast %multiple_of3A : i32 to index
        %get3A_124 = arith.constant 0 : index
        %get3A_125 = vector.load %arg8[%get3A_123, %get3A_124] : memref<4096x768xf32, #tpu.memory_space<vmem>>, vector<256x768xf32>
        %add3A_126 = arith.addf %get3A_125, %dot_general3A_109 : vector<256x768xf32>
        %select_n3A_127 = arith.select %and3A_114, %add3A_126, %get3A_125 : vector<256x768xi1>, vector<256x768xf32>
        %swap3A_128 = arith.index_cast %multiple_of3A : i32 to index
        %swap3A_129 = arith.constant 0 : index
        %swap3A_130 = vector.load %arg8[%swap3A_128, %swap3A_129] : memref<4096x768xf32, #tpu.memory_space<vmem>>, vector<256x768xf32>
        tpu.vector_store %arg8[%swap3A_128, %swap3A_129], %select_n3A_127 {strides = array<i32>} : memref<4096x768xf32, #tpu.memory_space<vmem>>, vector<256x768xf32>,
      } else {
      }
    }
    return
  }
  func.func @transform_0(%arg0: i32, %arg1: i32) -> (i32, i32) {
    %c0_i32 = arith.constant 0 : i32
    %c0_i32_0 = arith.constant 0 : i32
    %c0_i32_1 = arith.constant 0 : i32
    return %c0_i32, %c0_i32_0 : i32, i32
  }
  func.func @transform_1(%arg0: i32, %arg1: i32) -> (i32, i32) {
    %c0_i32 = arith.constant 0 : i32
    %c0_i32_0 = arith.constant 0 : i32
    %c0_i32_1 = arith.constant 0 : i32
    return %c0_i32, %c0_i32_0 : i32, i32
  }
  func.func @transform_2(%arg0: i32, %arg1: i32) -> (i32, i32, i32) {
    %c0_i32 = arith.constant 0 : i32
    %c0_i32_0 = arith.constant 0 : i32
    return %arg0, %c0_i32, %arg1 : i32, i32, i32
  }
  func.func @transform_3(%arg0: i32, %arg1: i32) -> (i32, i32, i32, i32) {
    %c0_i32 = arith.constant 0 : i32
    %c0_i32_0 = arith.constant 0 : i32
    %c0_i32_1 = arith.constant 0 : i32
    return %arg0, %arg1, %c0_i32, %c0_i32_0 : i32, i32, i32, i32
  }
  func.func @transform_4(%arg0: i32, %arg1: i32) -> (i32, i32, i32) {
    %c0_i32 = arith.constant 0 : i32
    %c0_i32_0 = arith.constant 0 : i32
    return %arg0, %arg1, %c0_i32 : i32, i32, i32
  }
  func.func @transform_5(%arg0: i32, %arg1: i32) -> (i32, i32, i32) {
    %c0_i32 = arith.constant 0 : i32
    %c0_i32_0 = arith.constant 0 : i32
    %c0_i32_1 = arith.constant 0 : i32
    return %arg0, %c0_i32, %c0_i32_0 : i32, i32, i32
  }
  func.func @transform_6(%arg0: i32, %arg1: i32) -> (i32, i32) {
    %c0_i32 = arith.constant 0 : i32
    %c0_i32_0 = arith.constant 0 : i32
    %c0_i32_1 = arith.constant 0 : i32
    return %c0_i32, %c0_i32_0 : i32, i32
  }
}

module attributes {stable_mosaic.version = 14 : i64} {
  func.func @_combine_body(%arg0: i32, %arg1: memref<512x768xf32, #tpu.memory_space<vmem>>, %arg2: memref<512x768xf32, #tpu.memory_space<vmem>>, %arg3: memref<512x8xf32, #tpu.memory_space<vmem>>, %arg4: memref<512x768xf32, #tpu.memory_space<vmem>>) attributes {dimension_semantics = [#tpu.dimension_semantics<arbitrary>], iteration_bounds = array<i64: 4>, scalar_prefetch = 0 : i64, scratch_operands = 0 : i64, tpu.core_type = #tpu.core_type<tc>, window_params = [{transform_indices = @transform_0, window_bounds = array<i64: 512, 768>}, {transform_indices = @transform_1, window_bounds = array<i64: 512, 768>}, {transform_indices = @transform_2, window_bounds = array<i64: 512, 8>}, {transform_indices = @transform_3, window_bounds = array<i64: 512, 768>}]} {
    %get3A = arith.constant 0 : index
    %get3A_0 = arith.constant 0 : index
    %get3A_1 = vector.load %arg3[%get3A, %get3A_0] : memref<512x8xf32, #tpu.memory_space<vmem>>, vector<512x8xf32>
    %iota3A = tpu.iota {dimensions = array<i32: 1>} : vector<512x8xi32>
    %eq3A = arith.constant 0 : i32
    %eq3A_2 = vector.broadcast %eq3A : i32 to vector<512x8xi32>
    %eq3A_3 = arith.cmpi eq, %iota3A, %eq3A_2 : vector<512x8xi32>
    %jit3A = arith.constant 0.000000e+00 : f32
    %broadcast_in_dim3A = vector.broadcast %jit3A : f32 to vector<512x8xf32>
    %select_n3A = arith.select %eq3A_3, %get3A_1, %broadcast_in_dim3A : vector<512x8xi1>, vector<512x8xf32>
    %reduce_sum3A = arith.constant dense<0.000000e+00> : vector<512xf32>
    %reduce_sum3A_4 = vector.multi_reduction <add>, %select_n3A, %reduce_sum3A [1] : vector<512x8xf32> to vector<512xf32>
    %broadcast_in_dim3A_5 = vector.shape_cast %reduce_sum3A_4 : vector<512xf32> to vector<512x1xf32>
    %eq3A_6 = arith.constant 1 : i32
    %eq3A_7 = vector.broadcast %eq3A_6 : i32 to vector<512x8xi32>
    %eq3A_8 = arith.cmpi eq, %iota3A, %eq3A_7 : vector<512x8xi32>
    %jit3A_9 = arith.constant 0.000000e+00 : f32
    %broadcast_in_dim3A_10 = vector.broadcast %jit3A_9 : f32 to vector<512x8xf32>
    %select_n3A_11 = arith.select %eq3A_8, %get3A_1, %broadcast_in_dim3A_10 : vector<512x8xi1>, vector<512x8xf32>
    %reduce_sum3A_12 = arith.constant dense<0.000000e+00> : vector<512xf32>
    %reduce_sum3A_13 = vector.multi_reduction <add>, %select_n3A_11, %reduce_sum3A_12 [1] : vector<512x8xf32> to vector<512xf32>
    %broadcast_in_dim3A_14 = vector.shape_cast %reduce_sum3A_13 : vector<512xf32> to vector<512x1xf32>
    %get3A_15 = arith.constant 0 : index
    %get3A_16 = arith.constant 0 : index
    %get3A_17 = vector.load %arg1[%get3A_15, %get3A_16] : memref<512x768xf32, #tpu.memory_space<vmem>>, vector<512x768xf32>
    %mul3A = vector.broadcast %broadcast_in_dim3A_5 : vector<512x1xf32> to vector<512x768xf32>
    %mul3A_18 = arith.mulf %mul3A, %get3A_17 : vector<512x768xf32>
    %get3A_19 = arith.constant 0 : index
    %get3A_20 = arith.constant 0 : index
    %get3A_21 = vector.load %arg2[%get3A_19, %get3A_20] : memref<512x768xf32, #tpu.memory_space<vmem>>, vector<512x768xf32>
    %mul3A_22 = vector.broadcast %broadcast_in_dim3A_14 : vector<512x1xf32> to vector<512x768xf32>
    %mul3A_23 = arith.mulf %mul3A_22, %get3A_21 : vector<512x768xf32>
    %add3A = arith.addf %mul3A_18, %mul3A_23 : vector<512x768xf32>
    %swap3A = arith.constant 0 : index
    %swap3A_24 = arith.constant 0 : index
    %swap3A_25 = vector.load %arg4[%swap3A, %swap3A_24] : memref<512x768xf32, #tpu.memory_space<vmem>>, vector<512x768xf32>
    tpu.vector_store %arg4[%swap3A, %swap3A_24], %add3A {strides = array<i32>} : memref<512x768xf32, #tpu.memory_space<vmem>>, vector<512x768xf32>,
    return
  }
  func.func @transform_0(%arg0: i32) -> (i32, i32) {
    %c0_i32 = arith.constant 0 : i32
    %c0_i32_0 = arith.constant 0 : i32
    return %arg0, %c0_i32 : i32, i32
  }
  func.func @transform_1(%arg0: i32) -> (i32, i32) {
    %add3A = arith.constant 4 : i32
    %add3A_0 = arith.addi %arg0, %add3A : i32
    %c0_i32 = arith.constant 0 : i32
    %c0_i32_1 = arith.constant 0 : i32
    return %add3A_0, %c0_i32 : i32, i32
  }
  func.func @transform_2(%arg0: i32) -> (i32, i32) {
    %c0_i32 = arith.constant 0 : i32
    %c0_i32_0 = arith.constant 0 : i32
    return %arg0, %c0_i32 : i32, i32
  }
  func.func @transform_3(%arg0: i32) -> (i32, i32) {
    %c0_i32 = arith.constant 0 : i32
    %c0_i32_0 = arith.constant 0 : i32
    return %arg0, %c0_i32 : i32, i32
  }
}

</mosaic_0001>

<sc_bundles>
// kernel: kernel.10.cloned.1.call-start
scs
__scs_entry_jumppad:
0x0: {  	(pc) =	sbr.rel $0x88, $3  }
0x1: {  	(tag) =	ssettag $0x0;
	lr =	simm.s32 $0x1  }
0x2: {  	[smem:$0x3F9B] =	sst lr;
	_ =	strace $0xD0000000  }
0x3: {  	_ = 	snop  }
0x4: {  	_ = 	snop  }
0x5: {  	_ = 	snop  }
0x6: {  	_ = 	snop  }
0x7: {  	_ = 	snop  }
__scs_overlays_trampoline_lowered:
0x8: {  	[smem:$0x3FAA] =	sst s0  }
0x9: {  	[smem:$0x3FAB] =	sst s1  }
0xa: {  	[smem:$0x3FAC] =	sst s2  }
0xb: {  	[smem:$0x3FAD] =	sst s3  }
0xc: {  	[smem:$0x3FAE] =	sst s4  }
0xd: {  	[smem:$0x3FAF] =	sst s5  }
0xe: {  	[smem:$0x3FB0] =	sst s6  }
0xf: {  	[smem:$0x3FB1] =	sst s7  }
0x10: {  	[smem:$0x3FB2] =	sst s8  }
0x11: {  	[smem:$0x3FB3] =	sst s9;
	s0 =	simm.s32 @!p0 $0x0  }
0x12: {  	s1 =	sld [smem:$0x3F99];
	s0 =	simm.s32 @p0 $0x1  }
0x13: {  	[smem:$0x3FB4] =	sst s0;
	s0 =	simm.s32 @!p1 $0x0  }
0x14: {  	s2 =	sld [smem:$0x3F98];
	s0 =	simm.s32 @p1 $0x1  }
0x15: {  	[smem:$0x3FB5] =	sst s0;
	s0 =	simm.s32 @!p2 $0x0  }
0x16: {  	s3 =	sld [smem:$0x3FDB];
	s0 =	simm.s32 @p2 $0x1  }
0x17: {  	s4 =	simm.s32 $0x1BF5;
	[smem:$0x3FB7] =	sst s0  }
0x18: {  	s0 =	sld [smem:$0x3F9A];
	_ =	swait.ge [sflag:s4], $0x0  }
0x19: {  	s7 =	sld [smem:$0x3F9B]  }
0x1a: {  	s8 =	sadd.s32 $0xFFFFE003, lr  }
0x1b: {  	s9 =	sadd.s32 $0xFFFFFEF7, lr;
	s5 =	simm.s32 $0xFFFFFFFF;
	p2 =	slt.u32 s8, $0xFFFFF086  }
0x1c: {  	p1 =	slt.u32 s9, $0xF7A;
	s5 =	simm.s32 @!p2 $0x0  }
0x1d: {  	s5 =	simm.s32 @p1 $0x1;
	p0 =	seq.s32 s7, s2  }
0x1e: {  	s7 =	smul.u32 @!p0 $0xF7A, s2;
	p2 =	seq.s32 @!p0 s5, $0x0  }
0x1f: {  	s9 =	smul.u32 $0xF7A, s1;
	s8 =	simm.s32 @!p0 $0x1BF5;
	p2 =	por !p2, p0  }
0x20: {  	[sflag:s8] =	ssyncset.s32 @!p0 $0xFFFFF086;
	s6 =	sadd.s32 @!p0 s3, s7;
	s7 =	simm.s32 @!p0 $0x108  }
0x21: {  	s3 =	sadd.s32 s3, s9;
	s6 =	sadd.s32 @!p0 $0x88, s6;
	s7 =	simm.s32 @p2 $0x1082  }
0x22: {  	[simem:s7], [sflag:s8] =	dma.local @!p0 [hbm:s6], $0xF7A  }
0x23: {  	s9 =	sor.u32 $0xD0000000, s2;
	s6 =	simm.s32 $0x108;
	_ =	swait.ge @!p0 [sflag:s8], $0x0  }
0x24: {  	s3 =	sadd.s32 $0x88, s3;
	s6 =	simm.s32 @!p1 $0x1082;
	[sflag:s4] =	ssyncset.s32 $0xFFFFF086  }
0x25: {  	[simem:s6], [sflag:s4] =	dma.local [hbm:s3], $0xF7A  }
0x26: {  	[smem:$0x3F9B] =	sst s1;
	(tag) =	ssettag s2;
	_ =	strace s9  }
0x27: {  	s1 =	sld [smem:$0x3FAB]  }
0x28: {  	s2 =	sld [smem:$0x3FAC]  }
0x29: {  	s4 =	sld [smem:$0x3FAE]  }
0x2a: {  	p0 =	seq.s32 s5, $0x0;
	s5 =	sld [smem:$0x3FAF]  }
0x2b: {  	s6 =	sld [smem:$0x3FB0]  }
0x2c: {  	s7 =	sld [smem:$0x3FB1]  }
0x2d: {  	s3 =	simm.s32 $0x108;
	s8 =	sld [smem:$0x3FB2]  }
0x2e: {  	s3 =	simm.s32 @!p0 $0x1082;
	s9 =	sld [smem:$0x3FB3]  }
0x2f: {  	lr =	sadd.s32 s0, s3;
	s0 =	sld [smem:$0x3FAA]  }
0x30: {  	s3 =	sld [smem:$0x3FAD]  }
0x31: {  	[smem:$0x3FB6] =	sst s10  }
0x32: {  	s10 =	sld [smem:$0x3FB4];
	_ =	sdelay $0x3  }
0x33: {  	p0 =	seq.s32 s10, $0x1;
	s10 =	sld [smem:$0x3FB6];
	_ =	sdelay $0x3  }
0x34: {  	[smem:$0x3FB6] =	sst s10  }
0x35: {  	s10 =	sld [smem:$0x3FB5];
	_ =	sdelay $0x3  }
0x36: {  	p1 =	seq.s32 s10, $0x1;
	s10 =	sld [smem:$0x3FB6];
	_ =	sdelay $0x3  }
0x37: {  	[smem:$0x3FB6] =	sst s10  }
0x38: {  	s10 =	sld [smem:$0x3FB7]  }
0x39: {  	_ = 	snop;
	(pc) =	sbr.ind lr, $3  }
0x3a: {  	_ = 	snop  }
0x3b: {  	_ = 	snop  }
0x3c: {  	p2 =	seq.s32 s10, $0x1;
	s10 =	sld [smem:$0x3FB6]  }
0x3d: {  	_ =	shalt  }
0x3e: {  	_ =	shalt  }
0x3f: {  	_ =	shalt  }
0x40: {  	_ =	shalt  }
0x41: {  	_ =	shalt  }
0x42: {  	_ =	shalt  }
0x43: {  	_ =	shalt  }
0x44: {  	_ =	shalt  }
0x45: {  	_ =	shalt  }
0x46: {  	_ =	shalt  }
0x47: {  	_ =	shalt  }
0x48: {  	_ =	shalt  }
0x49: {  	_ =	shalt  }
0x4a: {  	_ =	shalt  }
0x4b: {  	_ =	shalt  }
0x4c: {  	_ =	shalt  }
0x4d: {  	_ =	shalt  }
0x4e: {  	_ =	shalt  }
0x4f: {  	_ =	shalt  }
0x50: {  	_ =	shalt  }
0x51: {  	_ =	shalt  }
0x52: {  	_ =	shalt  }
0x53: {  	_ =	shalt  }
0x54: {  	_ =	shalt  }
0x55: {  	_ =	shalt  }
0x56: {  	_ =	shalt  }
0x57: {  	_ =	shalt  }
0x58: {  	_ =	shalt  }
0x59: {  	_ =	shalt  }
0x5a: {  	_ =	shalt  }
0x5b: {  	_ =	shalt  }
0x5c: {  	_ =	shalt  }
0x5d: {  	_ =	shalt  }
0x5e: {  	_ =	shalt  }
0x5f: {  	_ =	shalt  }
0x60: {  	_ =	shalt  }
0x61: {  	_ =	shalt  }
0x62: {  	_ =	shalt  }
0x63: {  	_ =	shalt  }
0x64: {  	_ =	shalt  }
0x65: {  	_ =	shalt  }
0x66: {  	_ =	shalt  }
0x67: {  	_ =	shalt  }
0x68: {  	_ =	shalt  }
0x69: {  	_ =	shalt  }
0x6a: {  	_ =	shalt  }
0x6b: {  	_ =	shalt  }
0x6c: {  	_ =	shalt  }
0x6d: {  	_ =	shalt  }
0x6e: {  	_ =	shalt  }
0x6f: {  	_ =	shalt  }
0x70: {  	_ =	shalt  }
0x71: {  	_ =	shalt  }
0x72: {  	_ =	shalt  }
0x73: {  	_ =	shalt  }
0x74: {  	_ =	shalt  }
0x75: {  	_ =	shalt  }
0x76: {  	_ =	shalt  }
0x77: {  	_ =	shalt  }
0x78: {  	_ =	shalt  }
0x79: {  	_ =	shalt  }
0x7a: {  	_ =	shalt  }
0x7b: {  	_ =	shalt  }
0x7c: {  	_ =	shalt  }
0x7d: {  	_ =	shalt  }
0x7e: {  	_ =	shalt  }
0x7f: {  	_ =	shalt  }
0x80: {  	_ =	shalt  }
0x81: {  	_ =	shalt  }
0x82: {  	_ =	shalt  }
0x83: {  	_ =	shalt  }
0x84: {  	_ =	shalt  }
0x85: {  	_ =	shalt  }
0x86: {  	_ =	shalt  }
0x87: {  	_ =	shalt  }
.Lfunc_end0:
.L_simem_size_0:
called_computation.1_lowered:
.L_overlay_start_0:
0x88: {  	s2 =	sld [smem:$0x3FD9]  }
0x89: {  	s3 =	sld [smem:$0x3FFE];
	_ =	sdelay $0x1  }
0x8a: {  	s1 =	srdreg.scid  }
0x8b: {  	s0 =	sand.u32 $0x1, s1  }
0x8c: {  	s16 =	sshll.u32 s0, $0xA;
	s2 =	sadd.s32 s3, s2  }
0x8d: {  	s2 =	sadd.s32 s2, s16  }
0x8e: {  	[smem:$0x3FC2] =	sst s2  }
0x8f: {  	_ = 	snop  }
0x90: {  	(tm) =	ssettm $0x1  }
0x91: {  	s17 =	sld [smem:$0x3FFB];
	_ =	sdelay $0x3  }
0x92: {  	_ =	strace s17  }
0x93: {  	s2 =	sld [smem:$0x3FFC];
	_ =	sdelay $0x3  }
0x94: {  	_ =	strace s2  }
0x95: {  	s2 =	sld [smem:$0x3FFD];
	_ =	sdelay $0x3  }
0x96: {  	_ =	strace s2  }
0x97: {  	_ =	strace $0x8FFFFFFF  }
0x98: {  	s18 =	sld [smem:$0x3FDB];
	_ =	sdelay $0x1  }
0x99: {  	s19 =	simm.s32 $_scs_section_size  }
0x9a: {  	s4 =	simm.s32 $_size__tile_overlayer_lowered;
	s5 =	simm.s32 $_tile_overlayer_lowered  }
0x9b: {  	s22 =	simm.s32 $0x1BFF;
	s21 =	sshll.u32 s5, $0x1;
	s2 =	sadd.s32 s19, s18  }
0x9c: {  	s6 =	simm.s32 $0x0;
	s20 =	sshll.u32 s4, $0x1;
	s4 =	sadd.s32 s21, s2  }
0x9d: {  	[timem:s6], [sflag:s22] =	dma.local [hbm:s4], s20  }
0x9e: {  	_ =	swait.ge [sflag:s22], s20  }
0x9f: {  	s3 =	ssub.s32 $0x0, s20;
	[sflag:s22] =	ssyncset.done $0x0  }
0xa0: {  	[sflag:s22] =	ssyncadd.s32 s3;
	_ =	sdelay $0x1  }
0xa1: {  	s23 =	simm.s32 $0x1B8B  }
0xa2: {  	_ =	swait.ge [sflag:s23], $0x1  }
0xa3: {  	[sflag:s23] =	ssyncset.done $0x0  }
0xa4: {  	s25 =	simm.s32 $0x1B8E;
	s24 =	sld [smem:$0x3FFE];
	[sflag:s23] =	ssyncadd.s32 $0xFFFFFFFF  }
0xa5: {  	s26 =	simm.s32 $execute0_lowered;
	[smem:$0x3FD2] =	sst s25  }
0xa6: {  	s4 =	sshll.u32 s26, $0x1;
	_ =	strace $0x80000049;
	[dreg:$0x1] =	wrdreg $0xFFFFFFFF  }
0xa7: {  	s28 =	simm.s32 $_size_execute0_lowered;
	s2 =	sadd.s32 s2, s4;
	[dreg:$0x0] =	wrdreg $0x0  }
0xa8: {  	s4 =	sshll.u32 s28, $0x1;
	[dreg:$0x2] =	wrdreg s2  }
0xa9: {  	[dreg:$0x3] =	wrdreg s4  }
0xaa: {  	[dreg:$0x4] =	wrdreg $0xC0  }
0xab: {  	_ =	task [dreg:s6], $0x5FFFF  }
0xac: {  	[dreg:$0x1] =	wrdreg $0xFFFFFFFF  }
0xad: {  	[dreg:$0x0] =	wrdreg $0x60  }
0xae: {  	[dreg:$0x2] =	wrdreg s24  }
0xaf: {  	[dreg:$0x3] =	wrdreg $0x9  }
0xb0: {  	_ =	task.clear_ibuf [dreg:s6], $0x4FFFF;
	_ =	strace $0x90000049  }
0xb1: {  	s29 =	simm.s32 $0x9;
	_ =	strace $0x8000004B  }
0xb2: {  	_ =	swait.ge [sflag:s29], $0x1  }
0xb3: {  	[sflag:s29] =	ssyncadd.s32 $0xFFFFFFFF  }
0xb4: {  	_ =	strace $0x9000004B  }
0xb5: {  	_ =	sfence  }
0xb6: {  	s30 =	sld [smem:$0x0];
	_ =	sdelay $0x2  }
0xb7: {  	s31 =	sshll.u32 s1, $0xD;
	s1 =	sshrl.u32 s1, $0x2  }
0xb8: {  	s3 =	sand.u32 $0x4000, s31;
	s1 =	sadd.s32 s1, s30  }
0xb9: {  	s0 =	sor.u32 s3, s0;
	s1 =	sshll.u32 s1, $0x11  }
0xba: {  	s0 =	sor.u32 s1, s0  }
0xbb: {  	s0 =	sadd.s32 $0x8F2B, s0  }
0xbc: {  	[sflag:s0] =	ssyncadd.remote.s32 $0x1  }
0xbd: {  	_ =	sfence.sel $0xFFFF  }
0xbe: {  	[dreg:$0x0] =	wrdreg $0xFFFFFFFF;
	(pc) =	sbr.abs _section_cstart, $3  }
0xbf: {  	[dreg:$0x1] =	wrdreg $0xFFFFFFFF  }
0xc0: {  	_ =	task.clear_ibuf [dreg:s6], $0x2FFFF;
	_ =	strace $0x9FFFFFFF  }
0xc1: {  	(tm) =	ssettm $0x7FFFFFFF  }
tec
execute0_lowered:
.L_overlay_start_1:
0x0: {  	(tag) =	ssettag $0x1  }
0x1: {  	s1 =	srdreg.scid;
	s0 =	stileid.u32  }
0x2: {  	s1 =	sand.u32 $0x1, s1;
	s2 =	sshll.u32 s0, $0x1  }
0x3: {  	s5 =	rddreg [dreg:$0x0];
	s3 =	sor.u32 s1, s2;
	s2 =	simm.s32 $0x0  }
0x4: {  	s26 =	simm.s32 $0x880;
	[smem:$0x7FF] =	sst s2  }
0x5: {  	s0 =	simm.s32 $0x1080;
	_ =	strace $0x8000004A;
	[dreg:$0x4] =	wrdreg s26  }
0x6: {  	s6 =	simm.s32 $0x2080;
	[dreg:$0x5] =	wrdreg s0  }
0x7: {  	s7 =	simm.s32 $0x2880;
	[dreg:$0x7] =	wrdreg s6  }
0x8: {  	s8 =	simm.s32 $0x3080;
	[dreg:$0x8] =	wrdreg s7  }
0x9: {  	s9 =	simm.s32 $0x3880;
	[dreg:$0x9] =	wrdreg s8  }
0xa: {  	s10 =	simm.s32 $0x4080;
	[dreg:$0xa] =	wrdreg s9  }
0xb: {  	s11 =	simm.s32 $0x4880;
	[dreg:$0xb] =	wrdreg s10  }
0xc: {  	s12 =	simm.s32 $0x5080;
	[dreg:$0xc] =	wrdreg s11  }
0xd: {  	s13 =	simm.s32 $0x5880;
	[dreg:$0xd] =	wrdreg s12  }
0xe: {  	s14 =	simm.s32 $0x6080;
	[dreg:$0xe] =	wrdreg s13  }
0xf: {  	s15 =	simm.s32 $0x6880;
	[dreg:$0xf] =	wrdreg s14  }
0x10: {  	s16 =	simm.s32 $0x7080;
	s17 =	simm.s32 $0x7880;
	[dreg:$0x10] =	wrdreg s15  }
0x11: {  	s18 =	simm.s32 $0x8080;
	s19 =	simm.s32 $0x8880;
	[dreg:$0x11] =	wrdreg s16  }
0x12: {  	s20 =	simm.s32 $0x9080;
	s21 =	simm.s32 $0x9880;
	[dreg:$0x12] =	wrdreg s17  }
0x13: {  	s22 =	simm.s32 $0xA080;
	s23 =	simm.s32 $0xA880;
	[dreg:$0x13] =	wrdreg s18  }
0x14: {  	s24 =	simm.s32 $0xB880;
	s25 =	simm.s32 $0xC080;
	[dreg:$0x14] =	wrdreg s19  }
0x15: {  	s28 =	simm.s32 $0x16080;
	s29 =	simm.s32 $0x16880;
	[dreg:$0x15] =	wrdreg s20  }
0x16: {  	s30 =	simm.s32 $0x17080;
	s31 =	simm.s32 $0x17880;
	[dreg:$0x16] =	wrdreg s21  }
0x17: {  	s1 =	ssub.s32 $0x2, s1;
	s4 =	sshll.u32 s3, $0x4;
	[dreg:$0x17] =	wrdreg s22  }
0x18: {  	s3 =	smul.u32 $0x3000, s3;
	s4 =	sadd.s32 s4, s5;
	[dreg:$0x18] =	wrdreg s23  }
0x19: {  	s6 =	sshrl.u32 s1, $0x1;
	s7 =	simm.s32 $0xB080;
	[dreg:$0x1a] =	wrdreg s24  }
0x1a: {  	s8 =	simm.s32 $0x80;
	[dreg:$0x1b] =	wrdreg s25;
	s26 =	simm.s32 $0xC880  }
0x1b: {  	s10 =	simm.s32 $0xD880;
	s11 =	simm.s32 $0xE080;
	s12 =	simm.s32 $0xE880  }
0x1c: {  	s13 =	simm.s32 $0xF080;
	s14 =	simm.s32 $0xF880;
	s15 =	simm.s32 $0x10080  }
0x1d: {  	s16 =	simm.s32 $0x10880;
	s17 =	simm.s32 $0x11080;
	s18 =	simm.s32 $0x11880  }
0x1e: {  	s19 =	simm.s32 $0x12080;
	s20 =	simm.s32 $0x12880;
	s21 =	simm.s32 $0x13080  }
0x1f: {  	s22 =	simm.s32 $0x13880;
	s23 =	simm.s32 $0x14080;
	s24 =	simm.s32 $0x14880  }
0x20: {  	s25 =	simm.s32 $0x15080;
	s3 =	sadd.s32 s3, s5;
	[dreg:$0x19] =	wrdreg s7  }
0x21: {  	s4 =	sadd.s32 $0x1600, s4;
	s1 =	ssub.s32 s1, s6;
	[dreg:$0x1c] =	wrdreg s26  }
0x22: {  	s7 =	simm.s32 $0x2;
	[dreg:$0x2] =	wrdreg s4;
	s3 =	sadd.s32 $0x1800, s3  }
0x23: {  	v2 =	vlaneseq.u32;
	s26 =	simm.s32 $0x15880;
	s4 =	simm.s32 $0x1880;
	[dreg:$0x3] =	wrdreg s3  }
0x24: {  	vm0 =	vmmov $0xffff;
	v1 =	vshrl.u32 v2, $0x3;
	s6 =	smax.u32 s1, $0x1;
	s1 =	simm.s32 $0x1;
	[dreg:$0x6] =	wrdreg s4  }
0x25: {  	v0 =	vand.u32 $0x7, v2;
	v2 =	vor.u32 $0x8, v2;
	v1 =	vmul.u32 $0x8, v1;
	s3 =	sadd.s32 $0x62800, s5;
	s4 =	sadd.s32 $0x62900, s5;
	s5 =	sadd.s32 $0x62A00, s5  }
.LBB2_1:
0x26: {  	s0 =	rddreg [dreg:$0x2]  }
0x27: {  	[tilespmem:s2], [sflag:$0x2] =	stream.linear.gather [hbm4b:s0+s2], $0x80, $0x38;
	[tilespmem:$0x18080] =	vst v63  }
0x28: {  	_ =	swait.ge [sflag:s7], $0x80  }
0x29: {  	[sflag:s7] =	ssyncset.done $0x0  }
0x2a: {  	[sflag:s7] =	ssyncadd.s32 $0xFFFFFF80  }
0x2b: {  	v3 =	vld [tilespmem:$0x0];
	_ =	sdelay $0x4  }
0x2c: {  	v4 =	vshrl.u32 v3, $0x3  }
0x2d: {  	v4 =	vmul.u32 $0x30, v4  }
0x2e: {  	v3 =	vand.u32 $0x7, v3  }
0x2f: {  	v3 =	vor.u32 v3, v4  }
0x30: {  	v4 =	vperm.xlane v3, v0;
	_ =	sdelay $0x1  }
0x31: {  	v4 =	vadd.s32 v1, v4;
	_ =	sdelay $0x3  }
0x32: {  	v3 =	vperm.xlane v3, v2  }
0x33: {  	[tilespmem:s8], [sflag:$0x1] =	stream.indirect_vreg.gather [hbm4b:s3+s2], $0x80, v4, vm0, $0xb8;
	[tilespmem:$0x18080] =	vst v63  }
0x34: {  	s0 =	rddreg [dreg:$0x4];
	v3 =	vadd.s32 v1, v3  }
0x35: {  	[tilespmem:s0], [sflag:$0x1] =	stream.indirect_vreg.gather [hbm4b:s4+s2], $0x80, v4, vm0, $0xb8;
	[tilespmem:$0x18080] =	vst v63  }
0x36: {  	s9 =	rddreg [dreg:$0x5]  }
0x37: {  	[tilespmem:s9], [sflag:$0x1] =	stream.indirect_vreg.gather [hbm4b:s5+s2], $0x80, v4, vm0, $0xb8;
	[tilespmem:$0x18080] =	vst v63  }
0x38: {  	s0 =	rddreg [dreg:$0x6]  }
0x39: {  	[tilespmem:s0], [sflag:$0x1] =	stream.indirect_vreg.gather [hbm4b:s3+s2], $0x80, v3, vm0, $0xb8;
	[tilespmem:$0x18080] =	vst v63  }
0x3a: {  	s9 =	rddreg [dreg:$0x7]  }
0x3b: {  	[tilespmem:s9], [sflag:$0x1] =	stream.indirect_vreg.gather [hbm4b:s4+s2], $0x80, v3, vm0, $0xb8;
	[tilespmem:$0x18080] =	vst v63  }
0x3c: {  	s0 =	rddreg [dreg:$0x8]  }
0x3d: {  	[tilespmem:s0], [sflag:$0x1] =	stream.indirect_vreg.gather [hbm4b:s5+s2], $0x80, v3, vm0, $0xb8;
	[tilespmem:$0x18080] =	vst v63  }
0x3e: {  	v3 =	vld [tilespmem:$0x10];
	_ =	sdelay $0x4  }
0x3f: {  	v57 =	vshrl.u32 v3, $0x3  }
0x40: {  	v4 =	vmul.u32 $0x30, v57  }
0x41: {  	v3 =	vand.u32 $0x7, v3  }
0x42: {  	v3 =	vor.u32 v3, v4  }
0x43: {  	v4 =	vperm.xlane v3, v0;
	_ =	sdelay $0x1  }
0x44: {  	v4 =	vadd.s32 v1, v4;
	_ =	sdelay $0x3  }
0x45: {  	s0 =	rddreg [dreg:$0x9];
	v3 =	vperm.xlane v3, v2  }
0x46: {  	[tilespmem:s0], [sflag:$0x1] =	stream.indirect_vreg.gather [hbm4b:s3+s2], $0x80, v4, vm0, $0xb8;
	[tilespmem:$0x18080] =	vst v63  }
0x47: {  	s9 =	rddreg [dreg:$0xa];
	v3 =	vadd.s32 v1, v3  }
0x48: {  	[tilespmem:s9], [sflag:$0x1] =	stream.indirect_vreg.gather [hbm4b:s4+s2], $0x80, v4, vm0, $0xb8;
	[tilespmem:$0x18080] =	vst v63  }
0x49: {  	s0 =	rddreg [dreg:$0xb]  }
0x4a: {  	[tilespmem:s0], [sflag:$0x1] =	stream.indirect_vreg.gather [hbm4b:s5+s2], $0x80, v4, vm0, $0xb8;
	[tilespmem:$0x18080] =	vst v63  }
0x4b: {  	s9 =	rddreg [dreg:$0xc]  }
0x4c: {  	[tilespmem:s9], [sflag:$0x1] =	stream.indirect_vreg.gather [hbm4b:s3+s2], $0x80, v3, vm0, $0xb8;
	[tilespmem:$0x18080] =	vst v63  }
0x4d: {  	s0 =	rddreg [dreg:$0xd]  }
0x4e: {  	[tilespmem:s0], [sflag:$0x1] =	stream.indirect_vreg.gather [hbm4b:s4+s2], $0x80, v3, vm0, $0xb8;
	[tilespmem:$0x18080] =	vst v63  }
0x4f: {  	s9 =	rddreg [dreg:$0xe]  }
0x50: {  	[tilespmem:s9], [sflag:$0x1] =	stream.indirect_vreg.gather [hbm4b:s5+s2], $0x80, v3, vm0, $0xb8;
	[tilespmem:$0x18080] =	vst v63  }
0x51: {  	v3 =	vld [tilespmem:$0x20];
	_ =	sdelay $0x4  }
0x52: {  	v58 =	vshrl.u32 v3, $0x3  }
0x53: {  	v4 =	vmul.u32 $0x30, v58  }
0x54: {  	v3 =	vand.u32 $0x7, v3  }
0x55: {  	v3 =	vor.u32 v3, v4  }
0x56: {  	v4 =	vperm.xlane v3, v0;
	_ =	sdelay $0x1  }
0x57: {  	v4 =	vadd.s32 v1, v4;
	_ =	sdelay $0x3  }
0x58: {  	s0 =	rddreg [dreg:$0xf];
	v3 =	vperm.xlane v3, v2  }
0x59: {  	[tilespmem:s0], [sflag:$0x1] =	stream.indirect_vreg.gather [hbm4b:s3+s2], $0x80, v4, vm0, $0xb8;
	[tilespmem:$0x18080] =	vst v63  }
0x5a: {  	s9 =	rddreg [dreg:$0x10];
	v3 =	vadd.s32 v1, v3  }
0x5b: {  	[tilespmem:s9], [sflag:$0x1] =	stream.indirect_vreg.gather [hbm4b:s4+s2], $0x80, v4, vm0, $0xb8;
	[tilespmem:$0x18080] =	vst v63  }
0x5c: {  	s0 =	rddreg [dreg:$0x11]  }
0x5d: {  	[tilespmem:s0], [sflag:$0x1] =	stream.indirect_vreg.gather [hbm4b:s5+s2], $0x80, v4, vm0, $0xb8;
	[tilespmem:$0x18080] =	vst v63  }
0x5e: {  	s9 =	rddreg [dreg:$0x12]  }
0x5f: {  	[tilespmem:s9], [sflag:$0x1] =	stream.indirect_vreg.gather [hbm4b:s3+s2], $0x80, v3, vm0, $0xb8;
	[tilespmem:$0x18080] =	vst v63  }
0x60: {  	s0 =	rddreg [dreg:$0x13]  }
0x61: {  	[tilespmem:s0], [sflag:$0x1] =	stream.indirect_vreg.gather [hbm4b:s4+s2], $0x80, v3, vm0, $0xb8;
	[tilespmem:$0x18080] =	vst v63  }
0x62: {  	s9 =	rddreg [dreg:$0x14]  }
0x63: {  	[tilespmem:s9], [sflag:$0x1] =	stream.indirect_vreg.gather [hbm4b:s5+s2], $0x80, v3, vm0, $0xb8;
	[tilespmem:$0x18080] =	vst v63  }
0x64: {  	v3 =	vld [tilespmem:$0x30];
	_ =	sdelay $0x4  }
0x65: {  	v59 =	vshrl.u32 v3, $0x3  }
0x66: {  	v4 =	vmul.u32 $0x30, v59  }
0x67: {  	v3 =	vand.u32 $0x7, v3  }
0x68: {  	v3 =	vor.u32 v3, v4  }
0x69: {  	v4 =	vperm.xlane v3, v0;
	_ =	sdelay $0x1  }
0x6a: {  	v4 =	vadd.s32 v1, v4;
	_ =	sdelay $0x3  }
0x6b: {  	s0 =	rddreg [dreg:$0x15];
	v3 =	vperm.xlane v3, v2  }
0x6c: {  	[tilespmem:s0], [sflag:$0x1] =	stream.indirect_vreg.gather [hbm4b:s3+s2], $0x80, v4, vm0, $0xb8;
	[tilespmem:$0x18080] =	vst v63  }
0x6d: {  	s9 =	rddreg [dreg:$0x16];
	v3 =	vadd.s32 v1, v3  }
0x6e: {  	[tilespmem:s9], [sflag:$0x1] =	stream.indirect_vreg.gather [hbm4b:s4+s2], $0x80, v4, vm0, $0xb8;
	[tilespmem:$0x18080] =	vst v63  }
0x6f: {  	s0 =	rddreg [dreg:$0x17]  }
0x70: {  	[tilespmem:s0], [sflag:$0x1] =	stream.indirect_vreg.gather [hbm4b:s5+s2], $0x80, v4, vm0, $0xb8;
	[tilespmem:$0x18080] =	vst v63  }
0x71: {  	s9 =	rddreg [dreg:$0x18]  }
0x72: {  	[tilespmem:s9], [sflag:$0x1] =	stream.indirect_vreg.gather [hbm4b:s3+s2], $0x80, v3, vm0, $0xb8;
	[tilespmem:$0x18080] =	vst v63  }
0x73: {  	s0 =	rddreg [dreg:$0x19]  }
0x74: {  	[tilespmem:s0], [sflag:$0x1] =	stream.indirect_vreg.gather [hbm4b:s4+s2], $0x80, v3, vm0, $0xb8;
	[tilespmem:$0x18080] =	vst v63  }
0x75: {  	s9 =	rddreg [dreg:$0x1a]  }
0x76: {  	[tilespmem:s9], [sflag:$0x1] =	stream.indirect_vreg.gather [hbm4b:s5+s2], $0x80, v3, vm0, $0xb8;
	[tilespmem:$0x18080] =	vst v63  }
0x77: {  	v3 =	vld [tilespmem:$0x40];
	_ =	sdelay $0x4  }
0x78: {  	v60 =	vshrl.u32 v3, $0x3  }
0x79: {  	v4 =	vmul.u32 $0x30, v60  }
0x7a: {  	v3 =	vand.u32 $0x7, v3  }
0x7b: {  	v3 =	vor.u32 v3, v4  }
0x7c: {  	v4 =	vperm.xlane v3, v0;
	_ =	sdelay $0x1  }
0x7d: {  	v4 =	vadd.s32 v1, v4;
	_ =	sdelay $0x3  }
0x7e: {  	s0 =	rddreg [dreg:$0x1b];
	v3 =	vperm.xlane v3, v2  }
0x7f: {  	[tilespmem:s0], [sflag:$0x1] =	stream.indirect_vreg.gather [hbm4b:s3+s2], $0x80, v4, vm0, $0xb8;
	[tilespmem:$0x18080] =	vst v63  }
0x80: {  	s9 =	rddreg [dreg:$0x1c];
	v3 =	vadd.s32 v1, v3  }
0x81: {  	[tilespmem:s9], [sflag:$0x1] =	stream.indirect_vreg.gather [hbm4b:s4+s2], $0x80, v4, vm0, $0xb8;
	[tilespmem:$0x18080] =	vst v63  }
0x82: {  	s9 =	simm.s32 $0xD080  }
0x83: {  	[tilespmem:s9], [sflag:$0x1] =	stream.indirect_vreg.gather [hbm4b:s5+s2], $0x80, v4, vm0, $0xb8;
	[tilespmem:$0x18080] =	vst v63  }
0x84: {  	_ = 	snop  }
0x85: {  	[tilespmem:s10], [sflag:$0x1] =	stream.indirect_vreg.gather [hbm4b:s3+s2], $0x80, v3, vm0, $0xb8;
	[tilespmem:$0x18080] =	vst v63  }
0x86: {  	_ = 	snop  }
0x87: {  	[tilespmem:s11], [sflag:$0x1] =	stream.indirect_vreg.gather [hbm4b:s4+s2], $0x80, v3, vm0, $0xb8;
	[tilespmem:$0x18080] =	vst v63  }
0x88: {  	_ = 	snop  }
0x89: {  	[tilespmem:s12], [sflag:$0x1] =	stream.indirect_vreg.gather [hbm4b:s5+s2], $0x80, v3, vm0, $0xb8;
	[tilespmem:$0x18080] =	vst v63  }
0x8a: {  	v3 =	vld [tilespmem:$0x50];
	_ =	sdelay $0x4  }
0x8b: {  	v61 =	vshrl.u32 v3, $0x3  }
0x8c: {  	v4 =	vmul.u32 $0x30, v61  }
0x8d: {  	v3 =	vand.u32 $0x7, v3  }
0x8e: {  	v3 =	vor.u32 v3, v4  }
0x8f: {  	v4 =	vperm.xlane v3, v0;
	_ =	sdelay $0x1  }
0x90: {  	v4 =	vadd.s32 v1, v4;
	_ =	sdelay $0x3  }
0x91: {  	v3 =	vperm.xlane v3, v2  }
0x92: {  	[tilespmem:s13], [sflag:$0x1] =	stream.indirect_vreg.gather [hbm4b:s3+s2], $0x80, v4, vm0, $0xb8;
	[tilespmem:$0x18080] =	vst v63  }
0x93: {  	v3 =	vadd.s32 v1, v3  }
0x94: {  	[tilespmem:s14], [sflag:$0x1] =	stream.indirect_vreg.gather [hbm4b:s4+s2], $0x80, v4, vm0, $0xb8;
	[tilespmem:$0x18080] =	vst v63  }
0x95: {  	_ = 	snop  }
0x96: {  	[tilespmem:s15], [sflag:$0x1] =	stream.indirect_vreg.gather [hbm4b:s5+s2], $0x80, v4, vm0, $0xb8;
	[tilespmem:$0x18080] =	vst v63  }
0x97: {  	_ = 	snop  }
0x98: {  	[tilespmem:s16], [sflag:$0x1] =	stream.indirect_vreg.gather [hbm4b:s3+s2], $0x80, v3, vm0, $0xb8;
	[tilespmem:$0x18080] =	vst v63  }
0x99: {  	_ = 	snop  }
0x9a: {  	[tilespmem:s17], [sflag:$0x1] =	stream.indirect_vreg.gather [hbm4b:s4+s2], $0x80, v3, vm0, $0xb8;
	[tilespmem:$0x18080] =	vst v63  }
0x9b: {  	_ = 	snop  }
0x9c: {  	[tilespmem:s18], [sflag:$0x1] =	stream.indirect_vreg.gather [hbm4b:s5+s2], $0x80, v3, vm0, $0xb8;
	[tilespmem:$0x18080] =	vst v63  }
0x9d: {  	v3 =	vld [tilespmem:$0x60];
	_ =	sdelay $0x4  }
0x9e: {  	v62 =	vshrl.u32 v3, $0x3  }
0x9f: {  	v4 =	vmul.u32 $0x30, v62  }
0xa0: {  	v3 =	vand.u32 $0x7, v3  }
0xa1: {  	v3 =	vor.u32 v3, v4  }
0xa2: {  	v4 =	vperm.xlane v3, v0;
	_ =	sdelay $0x1  }
0xa3: {  	v4 =	vadd.s32 v1, v4;
	_ =	sdelay $0x3  }
0xa4: {  	v3 =	vperm.xlane v3, v2  }
0xa5: {  	[tilespmem:s19], [sflag:$0x1] =	stream.indirect_vreg.gather [hbm4b:s3+s2], $0x80, v4, vm0, $0xb8;
	[tilespmem:$0x18080] =	vst v63  }
0xa6: {  	v3 =	vadd.s32 v1, v3  }
0xa7: {  	[tilespmem:s20], [sflag:$0x1] =	stream.indirect_vreg.gather [hbm4b:s4+s2], $0x80, v4, vm0, $0xb8;
	[tilespmem:$0x18080] =	vst v63  }
0xa8: {  	_ = 	snop  }
0xa9: {  	[tilespmem:s21], [sflag:$0x1] =	stream.indirect_vreg.gather [hbm4b:s5+s2], $0x80, v4, vm0, $0xb8;
	[tilespmem:$0x18080] =	vst v63  }
0xaa: {  	_ = 	snop  }
0xab: {  	[tilespmem:s22], [sflag:$0x1] =	stream.indirect_vreg.gather [hbm4b:s3+s2], $0x80, v3, vm0, $0xb8;
	[tilespmem:$0x18080] =	vst v63  }
0xac: {  	_ = 	snop  }
0xad: {  	[tilespmem:s23], [sflag:$0x1] =	stream.indirect_vreg.gather [hbm4b:s4+s2], $0x80, v3, vm0, $0xb8;
	[tilespmem:$0x18080] =	vst v63  }
0xae: {  	_ = 	snop  }
0xaf: {  	[tilespmem:s24], [sflag:$0x1] =	stream.indirect_vreg.gather [hbm4b:s5+s2], $0x80, v3, vm0, $0xb8;
	[tilespmem:$0x18080] =	vst v63  }
0xb0: {  	v3 =	vld [tilespmem:$0x70];
	_ =	sdelay $0x4  }
0xb1: {  	v63 =	vshrl.u32 v3, $0x3  }
0xb2: {  	v4 =	vmul.u32 $0x30, v63  }
0xb3: {  	v3 =	vand.u32 $0x7, v3  }
0xb4: {  	v3 =	vor.u32 v3, v4  }
0xb5: {  	v4 =	vperm.xlane v3, v0;
	_ =	sdelay $0x1  }
0xb6: {  	v4 =	vadd.s32 v1, v4;
	_ =	sdelay $0x3  }
0xb7: {  	v3 =	vperm.xlane v3, v2  }
0xb8: {  	[tilespmem:s25], [sflag:$0x1] =	stream.indirect_vreg.gather [hbm4b:s3+s2], $0x80, v4, vm0, $0xb8;
	[tilespmem:$0x18080] =	vst v63  }
0xb9: {  	v3 =	vadd.s32 v1, v3  }
0xba: {  	[tilespmem:s26], [sflag:$0x1] =	stream.indirect_vreg.gather [hbm4b:s4+s2], $0x80, v4, vm0, $0xb8;
	[tilespmem:$0x18080] =	vst v63  }
0xbb: {  	_ = 	snop  }
0xbc: {  	[tilespmem:s28], [sflag:$0x1] =	stream.indirect_vreg.gather [hbm4b:s5+s2], $0x80, v4, vm0, $0xb8;
	[tilespmem:$0x18080] =	vst v63  }
0xbd: {  	_ = 	snop  }
0xbe: {  	[tilespmem:s29], [sflag:$0x1] =	stream.indirect_vreg.gather [hbm4b:s3+s2], $0x80, v3, vm0, $0xb8;
	[tilespmem:$0x18080] =	vst v63  }
0xbf: {  	_ = 	snop  }
0xc0: {  	[tilespmem:s30], [sflag:$0x1] =	stream.indirect_vreg.gather [hbm4b:s4+s2], $0x80, v3, vm0, $0xb8;
	[tilespmem:$0x18080] =	vst v63  }
0xc1: {  	_ = 	snop  }
0xc2: {  	[tilespmem:s31], [sflag:$0x1] =	stream.indirect_vreg.gather [hbm4b:s5+s2], $0x80, v3, vm0, $0xb8;
	[tilespmem:$0x18080] =	vst v63  }
0xc3: {  	_ =	swait.ge [sflag:s1], $0x18000  }
0xc4: {  	p0 =	sne.s32 s6, $0x1;
	[sflag:s1] =	ssyncset.done $0x0  }
.Ltmp0:
0xc5: {  	s9 =	rddreg [dreg:$0x3];
	[sflag:s1] =	ssyncadd.s32 $0xFFFE8000;
	(pc) =	sbr.rel @p0 .LBB2_1-.Ltmp0, $4  }
0xc6: {  	[hbm4b:s9+s2] =	stream.linear.scatter [tilespmem:s8], [sflag:$0x2], $0x18000, $0x38;
	[tilespmem:$0x18080] =	vst v63  }
0xc7: {  	_ =	swait.ge [sflag:s7], $0x18000  }
0xc8: {  	[sflag:s7] =	ssyncset.done $0x0  }
0xc9: {  	s6 =	sadd.s32 $0xFFFFFFFF, s6;
	[sflag:s7] =	ssyncadd.s32 $0xFFFE8000  }
0xca: {  	_ =	sfence.sel $0x180000  }
0xcb: {  	[bflag:$0x0] =	sbarrier.arrive $0xFFFF  }
0xcc: {  	_ =	strace $0x9000004A  }
0xcd: {  	s0 =	stileid.u32;
	[bflag:$0x2] =	sbarrier.arrive $0xFFFF  }
0xce: {  	p0 =	sne.s32 s0, $0x0;
	s0 =	rddreg [dreg:$0x1]  }
0xcf: {  	s0 =	sadd.s32 @!p0 $0x100000, s0  }
0xd0: {  	[sflag:s0] =	ssyncadd.tile.s32 @!p0 $0x1;
	_ =	shalt  }
.Lfunc_end2:
_tile_overlayer_lowered:
.L_overlay_start_2:
0xd1: {  	(tag) =	ssettag $0x2  }
0xd2: {  	s0 =	rddreg [dreg:$0x0];
	s2 =	stileid.u32  }
0xd3: {  	s1 =	rddreg [dreg:$0x1];
	p0 =	sne.s32 s2, $0x0  }
0xd4: {  	s3 =	rddreg [dreg:$0x2];
	[bflag:$0x3] =	sbarrier.arrive $0xFFFF;
	s2 =	simm.s32 @!p0 $0x1C02  }
0xd5: {  	[timem:s3], [sflag:s2] =	dma.local @!p0 [hbm:s0], s1  }
0xd6: {  	s0 =	simm.s32 @!p0 $0x2  }
0xd7: {  	_ =	swait.ge @!p0 [sflag:s0], s1  }
0xd8: {  	s1 =	ssub.s32 @!p0 $0x0, s1;
	[sflag:s0] =	ssyncset.done @!p0 $0x0  }
0xd9: {  	[sflag:s0] =	ssyncadd.s32 @!p0 s1  }
0xda: {  	[bflag:$0x3] =	sbarrier.arrive $0xFFFF  }
0xdb: {  	_ =	shalt  }

// kernel: kernel.7.cloned.1.call-start
scs
__scs_entry_jumppad:
0x0: {  	(pc) =	sbr.rel $0x88, $3  }
0x1: {  	(tag) =	ssettag $0x0;
	lr =	simm.s32 $0x1  }
0x2: {  	[smem:$0x3F9B] =	sst lr;
	_ =	strace $0xD0000000  }
0x3: {  	_ = 	snop  }
0x4: {  	_ = 	snop  }
0x5: {  	_ = 	snop  }
0x6: {  	_ = 	snop  }
0x7: {  	_ = 	snop  }
__scs_overlays_trampoline_lowered:
0x8: {  	[smem:$0x3FAA] =	sst s0  }
0x9: {  	[smem:$0x3FAB] =	sst s1  }
0xa: {  	[smem:$0x3FAC] =	sst s2  }
0xb: {  	[smem:$0x3FAD] =	sst s3  }
0xc: {  	[smem:$0x3FAE] =	sst s4  }
0xd: {  	[smem:$0x3FAF] =	sst s5  }
0xe: {  	[smem:$0x3FB0] =	sst s6  }
0xf: {  	[smem:$0x3FB1] =	sst s7  }
0x10: {  	[smem:$0x3FB2] =	sst s8  }
0x11: {  	[smem:$0x3FB3] =	sst s9;
	s0 =	simm.s32 @!p0 $0x0  }
0x12: {  	s1 =	sld [smem:$0x3F99];
	s0 =	simm.s32 @p0 $0x1  }
0x13: {  	[smem:$0x3FB4] =	sst s0;
	s0 =	simm.s32 @!p1 $0x0  }
0x14: {  	s2 =	sld [smem:$0x3F98];
	s0 =	simm.s32 @p1 $0x1  }
0x15: {  	[smem:$0x3FB5] =	sst s0;
	s0 =	simm.s32 @!p2 $0x0  }
0x16: {  	s3 =	sld [smem:$0x3FDB];
	s0 =	simm.s32 @p2 $0x1  }
0x17: {  	s4 =	simm.s32 $0x1BF5;
	[smem:$0x3FB7] =	sst s0  }
0x18: {  	s0 =	sld [smem:$0x3F9A];
	_ =	swait.ge [sflag:s4], $0x0  }
0x19: {  	s7 =	sld [smem:$0x3F9B]  }
0x1a: {  	s8 =	sadd.s32 $0xFFFFE003, lr  }
0x1b: {  	s9 =	sadd.s32 $0xFFFFFEF7, lr;
	s5 =	simm.s32 $0xFFFFFFFF;
	p2 =	slt.u32 s8, $0xFFFFF086  }
0x1c: {  	p1 =	slt.u32 s9, $0xF7A;
	s5 =	simm.s32 @!p2 $0x0  }
0x1d: {  	s5 =	simm.s32 @p1 $0x1;
	p0 =	seq.s32 s7, s2  }
0x1e: {  	s7 =	smul.u32 @!p0 $0xF7A, s2;
	p2 =	seq.s32 @!p0 s5, $0x0  }
0x1f: {  	s9 =	smul.u32 $0xF7A, s1;
	s8 =	simm.s32 @!p0 $0x1BF5;
	p2 =	por !p2, p0  }
0x20: {  	[sflag:s8] =	ssyncset.s32 @!p0 $0xFFFFF086;
	s6 =	sadd.s32 @!p0 s3, s7;
	s7 =	simm.s32 @!p0 $0x108  }
0x21: {  	s3 =	sadd.s32 s3, s9;
	s6 =	sadd.s32 @!p0 $0x88, s6;
	s7 =	simm.s32 @p2 $0x1082  }
0x22: {  	[simem:s7], [sflag:s8] =	dma.local @!p0 [hbm:s6], $0xF7A  }
0x23: {  	s9 =	sor.u32 $0xD0000000, s2;
	s6 =	simm.s32 $0x108;
	_ =	swait.ge @!p0 [sflag:s8], $0x0  }
0x24: {  	s3 =	sadd.s32 $0x88, s3;
	s6 =	simm.s32 @!p1 $0x1082;
	[sflag:s4] =	ssyncset.s32 $0xFFFFF086  }
0x25: {  	[simem:s6], [sflag:s4] =	dma.local [hbm:s3], $0xF7A  }
0x26: {  	[smem:$0x3F9B] =	sst s1;
	(tag) =	ssettag s2;
	_ =	strace s9  }
0x27: {  	s1 =	sld [smem:$0x3FAB]  }
0x28: {  	s2 =	sld [smem:$0x3FAC]  }
0x29: {  	s4 =	sld [smem:$0x3FAE]  }
0x2a: {  	p0 =	seq.s32 s5, $0x0;
	s5 =	sld [smem:$0x3FAF]  }
0x2b: {  	s6 =	sld [smem:$0x3FB0]  }
0x2c: {  	s7 =	sld [smem:$0x3FB1]  }
0x2d: {  	s3 =	simm.s32 $0x108;
	s8 =	sld [smem:$0x3FB2]  }
0x2e: {  	s3 =	simm.s32 @!p0 $0x1082;
	s9 =	sld [smem:$0x3FB3]  }
0x2f: {  	lr =	sadd.s32 s0, s3;
	s0 =	sld [smem:$0x3FAA]  }
0x30: {  	s3 =	sld [smem:$0x3FAD]  }
0x31: {  	[smem:$0x3FB6] =	sst s10  }
0x32: {  	s10 =	sld [smem:$0x3FB4];
	_ =	sdelay $0x3  }
0x33: {  	p0 =	seq.s32 s10, $0x1;
	s10 =	sld [smem:$0x3FB6];
	_ =	sdelay $0x3  }
0x34: {  	[smem:$0x3FB6] =	sst s10  }
0x35: {  	s10 =	sld [smem:$0x3FB5];
	_ =	sdelay $0x3  }
0x36: {  	p1 =	seq.s32 s10, $0x1;
	s10 =	sld [smem:$0x3FB6];
	_ =	sdelay $0x3  }
0x37: {  	[smem:$0x3FB6] =	sst s10  }
0x38: {  	s10 =	sld [smem:$0x3FB7]  }
0x39: {  	_ = 	snop;
	(pc) =	sbr.ind lr, $3  }
0x3a: {  	_ = 	snop  }
0x3b: {  	_ = 	snop  }
0x3c: {  	p2 =	seq.s32 s10, $0x1;
	s10 =	sld [smem:$0x3FB6]  }
0x3d: {  	_ =	shalt  }
0x3e: {  	_ =	shalt  }
0x3f: {  	_ =	shalt  }
0x40: {  	_ =	shalt  }
0x41: {  	_ =	shalt  }
0x42: {  	_ =	shalt  }
0x43: {  	_ =	shalt  }
0x44: {  	_ =	shalt  }
0x45: {  	_ =	shalt  }
0x46: {  	_ =	shalt  }
0x47: {  	_ =	shalt  }
0x48: {  	_ =	shalt  }
0x49: {  	_ =	shalt  }
0x4a: {  	_ =	shalt  }
0x4b: {  	_ =	shalt  }
0x4c: {  	_ =	shalt  }
0x4d: {  	_ =	shalt  }
0x4e: {  	_ =	shalt  }
0x4f: {  	_ =	shalt  }
0x50: {  	_ =	shalt  }
0x51: {  	_ =	shalt  }
0x52: {  	_ =	shalt  }
0x53: {  	_ =	shalt  }
0x54: {  	_ =	shalt  }
0x55: {  	_ =	shalt  }
0x56: {  	_ =	shalt  }
0x57: {  	_ =	shalt  }
0x58: {  	_ =	shalt  }
0x59: {  	_ =	shalt  }
0x5a: {  	_ =	shalt  }
0x5b: {  	_ =	shalt  }
0x5c: {  	_ =	shalt  }
0x5d: {  	_ =	shalt  }
0x5e: {  	_ =	shalt  }
0x5f: {  	_ =	shalt  }
0x60: {  	_ =	shalt  }
0x61: {  	_ =	shalt  }
0x62: {  	_ =	shalt  }
0x63: {  	_ =	shalt  }
0x64: {  	_ =	shalt  }
0x65: {  	_ =	shalt  }
0x66: {  	_ =	shalt  }
0x67: {  	_ =	shalt  }
0x68: {  	_ =	shalt  }
0x69: {  	_ =	shalt  }
0x6a: {  	_ =	shalt  }
0x6b: {  	_ =	shalt  }
0x6c: {  	_ =	shalt  }
0x6d: {  	_ =	shalt  }
0x6e: {  	_ =	shalt  }
0x6f: {  	_ =	shalt  }
0x70: {  	_ =	shalt  }
0x71: {  	_ =	shalt  }
0x72: {  	_ =	shalt  }
0x73: {  	_ =	shalt  }
0x74: {  	_ =	shalt  }
0x75: {  	_ =	shalt  }
0x76: {  	_ =	shalt  }
0x77: {  	_ =	shalt  }
0x78: {  	_ =	shalt  }
0x79: {  	_ =	shalt  }
0x7a: {  	_ =	shalt  }
0x7b: {  	_ =	shalt  }
0x7c: {  	_ =	shalt  }
0x7d: {  	_ =	shalt  }
0x7e: {  	_ =	shalt  }
0x7f: {  	_ =	shalt  }
0x80: {  	_ =	shalt  }
0x81: {  	_ =	shalt  }
0x82: {  	_ =	shalt  }
0x83: {  	_ =	shalt  }
0x84: {  	_ =	shalt  }
0x85: {  	_ =	shalt  }
0x86: {  	_ =	shalt  }
0x87: {  	_ =	shalt  }
.Lfunc_end0:
.L_simem_size_0:
called_computation_lowered:
.L_overlay_start_0:
0x88: {  	s2 =	sld [smem:$0x3FD9]  }
0x89: {  	s3 =	sld [smem:$0x3FFE];
	_ =	sdelay $0x1  }
0x8a: {  	s1 =	srdreg.scid  }
0x8b: {  	s0 =	sand.u32 $0x1, s1  }
0x8c: {  	s17 =	sshll.u32 s0, $0xA;
	s2 =	sadd.s32 s3, s2  }
0x8d: {  	s2 =	sadd.s32 s2, s17  }
0x8e: {  	[smem:$0x3FC2] =	sst s2  }
0x8f: {  	_ = 	snop  }
0x90: {  	s2 =	sld [smem:$0x3FC9];
	(tm) =	ssettm $0x1  }
0x91: {  	s18 =	sld [smem:$0x3FFB];
	_ =	sdelay $0x3  }
0x92: {  	_ =	strace s18  }
0x93: {  	s3 =	sld [smem:$0x3FFC];
	_ =	sdelay $0x3  }
0x94: {  	_ =	strace s3  }
0x95: {  	s3 =	sld [smem:$0x3FFD];
	_ =	sdelay $0x3  }
0x96: {  	_ =	strace s3  }
0x97: {  	_ =	strace $0x8FFFFFFF  }
0x98: {  	s19 =	sld [smem:$0x3FDB];
	_ =	sdelay $0x1  }
0x99: {  	s4 =	simm.s32 $_scs_section_size  }
0x9a: {  	s5 =	simm.s32 $_size__tile_overlayer_lowered;
	s6 =	simm.s32 $_tile_overlayer_lowered  }
0x9b: {  	s22 =	simm.s32 $0x1BFF;
	s21 =	sshll.u32 s6, $0x1;
	s3 =	sadd.s32 s4, s19  }
0x9c: {  	s7 =	simm.s32 $0x0;
	s20 =	sshll.u32 s5, $0x1;
	s5 =	sadd.s32 s21, s3  }
0x9d: {  	[timem:s7], [sflag:s22] =	dma.local [hbm:s5], s20  }
0x9e: {  	_ =	swait.ge [sflag:s22], s20  }
0x9f: {  	s4 =	ssub.s32 $0x0, s20;
	[sflag:s22] =	ssyncset.done $0x0  }
0xa0: {  	[sflag:s22] =	ssyncadd.s32 s4;
	_ =	sdelay $0x1  }
0xa1: {  	s23 =	simm.s32 $0x1B8B  }
0xa2: {  	_ =	swait.ge [sflag:s23], $0x1  }
0xa3: {  	[sflag:s23] =	ssyncset.done $0x0  }
0xa4: {  	s25 =	simm.s32 $0x1B8E;
	s24 =	sld [smem:$0x3FFE];
	[sflag:s23] =	ssyncadd.s32 $0xFFFFFFFF  }
0xa5: {  	s26 =	simm.s32 $execute0_lowered;
	[smem:$0x3FD2] =	sst s25  }
0xa6: {  	s5 =	sshll.u32 s26, $0x1;
	_ =	strace $0x80000046;
	[dreg:$0x1] =	wrdreg $0xFFFFFFFF  }
0xa7: {  	s28 =	simm.s32 $_size_execute0_lowered;
	s3 =	sadd.s32 s3, s5;
	[dreg:$0x0] =	wrdreg $0x0  }
0xa8: {  	s5 =	sshll.u32 s28, $0x1;
	[dreg:$0x2] =	wrdreg s3  }
0xa9: {  	[dreg:$0x3] =	wrdreg s5  }
0xaa: {  	[dreg:$0x4] =	wrdreg $0xC0  }
0xab: {  	_ =	task [dreg:s7], $0x5FFFF  }
0xac: {  	[dreg:$0x1] =	wrdreg $0xFFFFFFFF  }
0xad: {  	[dreg:$0x0] =	wrdreg $0x60  }
0xae: {  	[dreg:$0x2] =	wrdreg s2  }
0xaf: {  	[dreg:$0x3] =	wrdreg s24  }
0xb0: {  	[dreg:$0x4] =	wrdreg $0x9  }
0xb1: {  	_ =	task.clear_ibuf [dreg:s7], $0x5FFFF;
	_ =	strace $0x90000046  }
0xb2: {  	s29 =	simm.s32 $0x9;
	_ =	strace $0x80000048  }
0xb3: {  	_ =	swait.ge [sflag:s29], $0x1  }
0xb4: {  	[sflag:s29] =	ssyncadd.s32 $0xFFFFFFFF  }
0xb5: {  	_ =	strace $0x90000048  }
0xb6: {  	_ =	sfence  }
0xb7: {  	s30 =	sld [smem:$0x0];
	_ =	sdelay $0x2  }
0xb8: {  	s31 =	sshll.u32 s1, $0xD;
	s1 =	sshrl.u32 s1, $0x2  }
0xb9: {  	s3 =	sand.u32 $0x4000, s31;
	s1 =	sadd.s32 s1, s30  }
0xba: {  	s0 =	sor.u32 s3, s0;
	s1 =	sshll.u32 s1, $0x11  }
0xbb: {  	s0 =	sor.u32 s1, s0  }
0xbc: {  	s0 =	sadd.s32 $0x8F2B, s0  }
0xbd: {  	[sflag:s0] =	ssyncadd.remote.s32 $0x1  }
0xbe: {  	_ =	sfence.sel $0xFFFF  }
0xbf: {  	[dreg:$0x0] =	wrdreg $0xFFFFFFFF;
	(pc) =	sbr.abs _section_cstart, $3  }
0xc0: {  	[dreg:$0x1] =	wrdreg $0xFFFFFFFF  }
0xc1: {  	_ =	task.clear_ibuf [dreg:s7], $0x2FFFF;
	_ =	strace $0x9FFFFFFF  }
0xc2: {  	(tm) =	ssettm $0x7FFFFFFF  }
0xc3: {  	_ =	shalt  }
tec
execute0_lowered:
.L_overlay_start_1:
0x0: {  	(tag) =	ssettag $0x1  }
0x1: {  	s1 =	srdreg.scid  }
0x2: {  	s0 =	stileid.u32;
	s1 =	sand.u32 $0x1, s1  }
0x3: {  	s3 =	rddreg [dreg:$0x0];
	s2 =	sshll.u32 s0, $0x5;
	s4 =	sshll.u32 s1, $0x4  }
0x4: {  	s5 =	rddreg [dreg:$0x1];
	s4 =	sor.u32 s4, s2;
	s2 =	simm.s32 $0x0  }
0x5: {  	s25 =	simm.s32 $0x880;
	[smem:$0x7FF] =	sst s2  }
0x6: {  	s26 =	simm.s32 $0x1080;
	_ =	strace $0x80000047;
	[dreg:$0x5] =	wrdreg s25  }
0x7: {  	s0 =	simm.s32 $0x1880;
	[dreg:$0x6] =	wrdreg s26  }
0x8: {  	s7 =	simm.s32 $0x3080;
	[dreg:$0x7] =	wrdreg s0  }
0x9: {  	s8 =	simm.s32 $0x3880;
	[dreg:$0xa] =	wrdreg s7  }
0xa: {  	s9 =	simm.s32 $0x4080;
	[dreg:$0xb] =	wrdreg s8  }
0xb: {  	s10 =	simm.s32 $0x4880;
	[dreg:$0xc] =	wrdreg s9  }
0xc: {  	s11 =	simm.s32 $0x5080;
	s12 =	simm.s32 $0x5880;
	[dreg:$0xd] =	wrdreg s10  }
0xd: {  	s13 =	simm.s32 $0x6080;
	s14 =	simm.s32 $0x6880;
	[dreg:$0xe] =	wrdreg s11  }
0xe: {  	s15 =	simm.s32 $0x7080;
	s16 =	simm.s32 $0x7880;
	[dreg:$0xf] =	wrdreg s12  }
0xf: {  	s17 =	simm.s32 $0x8080;
	s18 =	simm.s32 $0x8880;
	[dreg:$0x10] =	wrdreg s13  }
0x10: {  	s19 =	simm.s32 $0x9080;
	s21 =	simm.s32 $0x9880;
	[dreg:$0x11] =	wrdreg s14  }
0x11: {  	s22 =	simm.s32 $0xA080;
	s23 =	simm.s32 $0xA880;
	[dreg:$0x12] =	wrdreg s15  }
0x12: {  	s24 =	simm.s32 $0xB880;
	s28 =	simm.s32 $0x16080;
	[dreg:$0x13] =	wrdreg s16  }
0x13: {  	s29 =	simm.s32 $0x16880;
	s30 =	simm.s32 $0x17080;
	[dreg:$0x14] =	wrdreg s17  }
0x14: {  	s31 =	simm.s32 $0x17880;
	s1 =	ssub.s32 $0x2, s1;
	[dreg:$0x15] =	wrdreg s18  }
0x15: {  	s20 =	sshrl.u32 s1, $0x1;
	s6 =	sand.u32 $0xF0, s4;
	[dreg:$0x16] =	wrdreg s19  }
0x16: {  	s4 =	sadd.s32 s4, s5;
	s1 =	ssub.s32 s1, s20;
	[dreg:$0x17] =	wrdreg s21  }
0x17: {  	s20 =	simm.s32 $0x12880;
	s6 =	smul.u32 $0x300, s6;
	[dreg:$0x18] =	wrdreg s22  }
0x18: {  	s4 =	sadd.s32 $0x1600, s4;
	[dreg:$0x19] =	wrdreg s23;
	s7 =	simm.s32 $0xB080  }
0x19: {  	[dreg:$0x1b] =	wrdreg s24;
	s25 =	simm.s32 $0xC080;
	s8 =	simm.s32 $0x80  }
0x1a: {  	s26 =	simm.s32 $0xC880;
	s10 =	simm.s32 $0xD880;
	s11 =	simm.s32 $0xE080  }
0x1b: {  	s12 =	simm.s32 $0xE880;
	s13 =	simm.s32 $0xF080;
	s14 =	simm.s32 $0xF880  }
0x1c: {  	s15 =	simm.s32 $0x10080;
	s16 =	simm.s32 $0x10880;
	s17 =	simm.s32 $0x11080  }
0x1d: {  	s18 =	simm.s32 $0x11880;
	s19 =	simm.s32 $0x12080;
	[dreg:$0x3] =	wrdreg s4  }
0x1e: {  	s21 =	simm.s32 $0x13080;
	s22 =	simm.s32 $0x13880;
	[dreg:$0x1a] =	wrdreg s7  }
0x1f: {  	s23 =	simm.s32 $0x14080;
	s24 =	simm.s32 $0x14880;
	[dreg:$0x1c] =	wrdreg s25  }
0x20: {  	s4 =	simm.s32 $0x2080;
	s7 =	simm.s32 $0x2;
	[dreg:$0x1d] =	wrdreg s26  }
0x21: {  	s25 =	simm.s32 $0x15080;
	s3 =	sadd.s32 s3, s6;
	[dreg:$0x8] =	wrdreg s4  }
0x22: {  	v2 =	vlaneseq.u32;
	s26 =	simm.s32 $0x15880;
	s6 =	simm.s32 $0x2880;
	[dreg:$0x4] =	wrdreg s3  }
0x23: {  	vm0 =	vmmov $0xffff;
	v1 =	vshrl.u32 v2, $0x3;
	s4 =	sadd.s32 $0x1900, s5;
	[dreg:$0x9] =	wrdreg s6;
	s3 =	sadd.s32 $0x1800, s5  }
0x24: {  	v0 =	vand.u32 $0x7, v2;
	v2 =	vor.u32 $0x8, v2;
	v1 =	vmul.u32 $0x8, v1;
	s5 =	sadd.s32 $0x1A00, s5;
	s6 =	smax.u32 s1, $0x1;
	s1 =	simm.s32 $0x1  }
.LBB2_1:
0x25: {  	s0 =	rddreg [dreg:$0x3]  }
0x26: {  	[tilespmem:s2], [sflag:$0x2] =	stream.linear.gather [hbm4b:s0+s2], $0x80, $0x38;
	[tilespmem:$0x18080] =	vst v63  }
0x27: {  	_ =	swait.ge [sflag:s7], $0x80  }
0x28: {  	[sflag:s7] =	ssyncset.done $0x0  }
0x29: {  	s9 =	rddreg [dreg:$0x4];
	[sflag:s7] =	ssyncadd.s32 $0xFFFFFF80  }
0x2a: {  	[tilespmem:s8], [sflag:$0x2] =	stream.linear.gather [hbm4b:s9+s2], $0x18000, $0x38;
	[tilespmem:$0x18080] =	vst v63  }
0x2b: {  	_ =	swait.ge [sflag:s7], $0x18000  }
0x2c: {  	[sflag:s7] =	ssyncset.done $0x0  }
0x2d: {  	[sflag:s7] =	ssyncadd.s32 $0xFFFE8000  }
0x2e: {  	v3 =	vld [tilespmem:$0x0];
	_ =	sdelay $0x4  }
0x2f: {  	v4 =	vshrl.u32 v3, $0x3  }
0x30: {  	v4 =	vmul.u32 $0x30, v4  }
0x31: {  	v3 =	vand.u32 $0x7, v3  }
0x32: {  	v3 =	vor.u32 v3, v4  }
0x33: {  	v4 =	vperm.xlane v3, v0;
	_ =	sdelay $0x1  }
0x34: {  	v4 =	vadd.s32 v1, v4;
	_ =	sdelay $0x3  }
0x35: {  	v3 =	vperm.xlane v3, v2  }
0x36: {  	[hbm4b:s3+s2] =	stream.indirect_vreg.scatter [tilespmem:s8], [sflag:$0x1], $0x80, v4, vm0, $0xb8;
	[tilespmem:$0x18080] =	vst v63  }
0x37: {  	s0 =	rddreg [dreg:$0x5];
	v3 =	vadd.s32 v1, v3  }
0x38: {  	[hbm4b:s4+s2] =	stream.indirect_vreg.scatter [tilespmem:s0], [sflag:$0x1], $0x80, v4, vm0, $0xb8;
	[tilespmem:$0x18080] =	vst v63  }
0x39: {  	s9 =	rddreg [dreg:$0x6]  }
0x3a: {  	[hbm4b:s5+s2] =	stream.indirect_vreg.scatter [tilespmem:s9], [sflag:$0x1], $0x80, v4, vm0, $0xb8;
	[tilespmem:$0x18080] =	vst v63  }
0x3b: {  	s0 =	rddreg [dreg:$0x7]  }
0x3c: {  	[hbm4b:s3+s2] =	stream.indirect_vreg.scatter [tilespmem:s0], [sflag:$0x1], $0x80, v3, vm0, $0xb8;
	[tilespmem:$0x18080] =	vst v63  }
0x3d: {  	s9 =	rddreg [dreg:$0x8]  }
0x3e: {  	[hbm4b:s4+s2] =	stream.indirect_vreg.scatter [tilespmem:s9], [sflag:$0x1], $0x80, v3, vm0, $0xb8;
	[tilespmem:$0x18080] =	vst v63  }
0x3f: {  	s0 =	rddreg [dreg:$0x9]  }
0x40: {  	[hbm4b:s5+s2] =	stream.indirect_vreg.scatter [tilespmem:s0], [sflag:$0x1], $0x80, v3, vm0, $0xb8;
	[tilespmem:$0x18080] =	vst v63  }
0x41: {  	v3 =	vld [tilespmem:$0x10];
	_ =	sdelay $0x4  }
0x42: {  	v57 =	vshrl.u32 v3, $0x3  }
0x43: {  	v4 =	vmul.u32 $0x30, v57  }
0x44: {  	v3 =	vand.u32 $0x7, v3  }
0x45: {  	v3 =	vor.u32 v3, v4  }
0x46: {  	v4 =	vperm.xlane v3, v0;
	_ =	sdelay $0x1  }
0x47: {  	v4 =	vadd.s32 v1, v4;
	_ =	sdelay $0x3  }
0x48: {  	s0 =	rddreg [dreg:$0xa];
	v3 =	vperm.xlane v3, v2  }
0x49: {  	[hbm4b:s3+s2] =	stream.indirect_vreg.scatter [tilespmem:s0], [sflag:$0x1], $0x80, v4, vm0, $0xb8;
	[tilespmem:$0x18080] =	vst v63  }
0x4a: {  	s9 =	rddreg [dreg:$0xb];
	v3 =	vadd.s32 v1, v3  }
0x4b: {  	[hbm4b:s4+s2] =	stream.indirect_vreg.scatter [tilespmem:s9], [sflag:$0x1], $0x80, v4, vm0, $0xb8;
	[tilespmem:$0x18080] =	vst v63  }
0x4c: {  	s0 =	rddreg [dreg:$0xc]  }
0x4d: {  	[hbm4b:s5+s2] =	stream.indirect_vreg.scatter [tilespmem:s0], [sflag:$0x1], $0x80, v4, vm0, $0xb8;
	[tilespmem:$0x18080] =	vst v63  }
0x4e: {  	s9 =	rddreg [dreg:$0xd]  }
0x4f: {  	[hbm4b:s3+s2] =	stream.indirect_vreg.scatter [tilespmem:s9], [sflag:$0x1], $0x80, v3, vm0, $0xb8;
	[tilespmem:$0x18080] =	vst v63  }
0x50: {  	s0 =	rddreg [dreg:$0xe]  }
0x51: {  	[hbm4b:s4+s2] =	stream.indirect_vreg.scatter [tilespmem:s0], [sflag:$0x1], $0x80, v3, vm0, $0xb8;
	[tilespmem:$0x18080] =	vst v63  }
0x52: {  	s9 =	rddreg [dreg:$0xf]  }
0x53: {  	[hbm4b:s5+s2] =	stream.indirect_vreg.scatter [tilespmem:s9], [sflag:$0x1], $0x80, v3, vm0, $0xb8;
	[tilespmem:$0x18080] =	vst v63  }
0x54: {  	v3 =	vld [tilespmem:$0x20];
	_ =	sdelay $0x4  }
0x55: {  	v58 =	vshrl.u32 v3, $0x3  }
0x56: {  	v4 =	vmul.u32 $0x30, v58  }
0x57: {  	v3 =	vand.u32 $0x7, v3  }
0x58: {  	v3 =	vor.u32 v3, v4  }
0x59: {  	v4 =	vperm.xlane v3, v0;
	_ =	sdelay $0x1  }
0x5a: {  	v4 =	vadd.s32 v1, v4;
	_ =	sdelay $0x3  }
0x5b: {  	s0 =	rddreg [dreg:$0x10];
	v3 =	vperm.xlane v3, v2  }
0x5c: {  	[hbm4b:s3+s2] =	stream.indirect_vreg.scatter [tilespmem:s0], [sflag:$0x1], $0x80, v4, vm0, $0xb8;
	[tilespmem:$0x18080] =	vst v63  }
0x5d: {  	s9 =	rddreg [dreg:$0x11];
	v3 =	vadd.s32 v1, v3  }
0x5e: {  	[hbm4b:s4+s2] =	stream.indirect_vreg.scatter [tilespmem:s9], [sflag:$0x1], $0x80, v4, vm0, $0xb8;
	[tilespmem:$0x18080] =	vst v63  }
0x5f: {  	s0 =	rddreg [dreg:$0x12]  }
0x60: {  	[hbm4b:s5+s2] =	stream.indirect_vreg.scatter [tilespmem:s0], [sflag:$0x1], $0x80, v4, vm0, $0xb8;
	[tilespmem:$0x18080] =	vst v63  }
0x61: {  	s9 =	rddreg [dreg:$0x13]  }
0x62: {  	[hbm4b:s3+s2] =	stream.indirect_vreg.scatter [tilespmem:s9], [sflag:$0x1], $0x80, v3, vm0, $0xb8;
	[tilespmem:$0x18080] =	vst v63  }
0x63: {  	s0 =	rddreg [dreg:$0x14]  }
0x64: {  	[hbm4b:s4+s2] =	stream.indirect_vreg.scatter [tilespmem:s0], [sflag:$0x1], $0x80, v3, vm0, $0xb8;
	[tilespmem:$0x18080] =	vst v63  }
0x65: {  	s9 =	rddreg [dreg:$0x15]  }
0x66: {  	[hbm4b:s5+s2] =	stream.indirect_vreg.scatter [tilespmem:s9], [sflag:$0x1], $0x80, v3, vm0, $0xb8;
	[tilespmem:$0x18080] =	vst v63  }
0x67: {  	v3 =	vld [tilespmem:$0x30];
	_ =	sdelay $0x4  }
0x68: {  	v59 =	vshrl.u32 v3, $0x3  }
0x69: {  	v4 =	vmul.u32 $0x30, v59  }
0x6a: {  	v3 =	vand.u32 $0x7, v3  }
0x6b: {  	v3 =	vor.u32 v3, v4  }
0x6c: {  	v4 =	vperm.xlane v3, v0;
	_ =	sdelay $0x1  }
0x6d: {  	v4 =	vadd.s32 v1, v4;
	_ =	sdelay $0x3  }
0x6e: {  	s0 =	rddreg [dreg:$0x16];
	v3 =	vperm.xlane v3, v2  }
0x6f: {  	[hbm4b:s3+s2] =	stream.indirect_vreg.scatter [tilespmem:s0], [sflag:$0x1], $0x80, v4, vm0, $0xb8;
	[tilespmem:$0x18080] =	vst v63  }
0x70: {  	s9 =	rddreg [dreg:$0x17];
	v3 =	vadd.s32 v1, v3  }
0x71: {  	[hbm4b:s4+s2] =	stream.indirect_vreg.scatter [tilespmem:s9], [sflag:$0x1], $0x80, v4, vm0, $0xb8;
	[tilespmem:$0x18080] =	vst v63  }
0x72: {  	s0 =	rddreg [dreg:$0x18]  }
0x73: {  	[hbm4b:s5+s2] =	stream.indirect_vreg.scatter [tilespmem:s0], [sflag:$0x1], $0x80, v4, vm0, $0xb8;
	[tilespmem:$0x18080] =	vst v63  }
0x74: {  	s9 =	rddreg [dreg:$0x19]  }
0x75: {  	[hbm4b:s3+s2] =	stream.indirect_vreg.scatter [tilespmem:s9], [sflag:$0x1], $0x80, v3, vm0, $0xb8;
	[tilespmem:$0x18080] =	vst v63  }
0x76: {  	s0 =	rddreg [dreg:$0x1a]  }
0x77: {  	[hbm4b:s4+s2] =	stream.indirect_vreg.scatter [tilespmem:s0], [sflag:$0x1], $0x80, v3, vm0, $0xb8;
	[tilespmem:$0x18080] =	vst v63  }
0x78: {  	s9 =	rddreg [dreg:$0x1b]  }
0x79: {  	[hbm4b:s5+s2] =	stream.indirect_vreg.scatter [tilespmem:s9], [sflag:$0x1], $0x80, v3, vm0, $0xb8;
	[tilespmem:$0x18080] =	vst v63  }
0x7a: {  	v3 =	vld [tilespmem:$0x40];
	_ =	sdelay $0x4  }
0x7b: {  	v60 =	vshrl.u32 v3, $0x3  }
0x7c: {  	v4 =	vmul.u32 $0x30, v60  }
0x7d: {  	v3 =	vand.u32 $0x7, v3  }
0x7e: {  	v3 =	vor.u32 v3, v4  }
0x7f: {  	v4 =	vperm.xlane v3, v0;
	_ =	sdelay $0x1  }
0x80: {  	v4 =	vadd.s32 v1, v4;
	_ =	sdelay $0x3  }
0x81: {  	s0 =	rddreg [dreg:$0x1c];
	v3 =	vperm.xlane v3, v2  }
0x82: {  	[hbm4b:s3+s2] =	stream.indirect_vreg.scatter [tilespmem:s0], [sflag:$0x1], $0x80, v4, vm0, $0xb8;
	[tilespmem:$0x18080] =	vst v63  }
0x83: {  	s9 =	rddreg [dreg:$0x1d];
	v3 =	vadd.s32 v1, v3  }
0x84: {  	[hbm4b:s4+s2] =	stream.indirect_vreg.scatter [tilespmem:s9], [sflag:$0x1], $0x80, v4, vm0, $0xb8;
	[tilespmem:$0x18080] =	vst v63  }
0x85: {  	s9 =	simm.s32 $0xD080  }
0x86: {  	[hbm4b:s5+s2] =	stream.indirect_vreg.scatter [tilespmem:s9], [sflag:$0x1], $0x80, v4, vm0, $0xb8;
	[tilespmem:$0x18080] =	vst v63  }
0x87: {  	_ = 	snop  }
0x88: {  	[hbm4b:s3+s2] =	stream.indirect_vreg.scatter [tilespmem:s10], [sflag:$0x1], $0x80, v3, vm0, $0xb8;
	[tilespmem:$0x18080] =	vst v63  }
0x89: {  	_ = 	snop  }
0x8a: {  	[hbm4b:s4+s2] =	stream.indirect_vreg.scatter [tilespmem:s11], [sflag:$0x1], $0x80, v3, vm0, $0xb8;
	[tilespmem:$0x18080] =	vst v63  }
0x8b: {  	_ = 	snop  }
0x8c: {  	[hbm4b:s5+s2] =	stream.indirect_vreg.scatter [tilespmem:s12], [sflag:$0x1], $0x80, v3, vm0, $0xb8;
	[tilespmem:$0x18080] =	vst v63  }
0x8d: {  	v3 =	vld [tilespmem:$0x50];
	_ =	sdelay $0x4  }
0x8e: {  	v61 =	vshrl.u32 v3, $0x3  }
0x8f: {  	v4 =	vmul.u32 $0x30, v61  }
0x90: {  	v3 =	vand.u32 $0x7, v3  }
0x91: {  	v3 =	vor.u32 v3, v4  }
0x92: {  	v4 =	vperm.xlane v3, v0;
	_ =	sdelay $0x1  }
0x93: {  	v4 =	vadd.s32 v1, v4;
	_ =	sdelay $0x3  }
0x94: {  	v3 =	vperm.xlane v3, v2  }
0x95: {  	[hbm4b:s3+s2] =	stream.indirect_vreg.scatter [tilespmem:s13], [sflag:$0x1], $0x80, v4, vm0, $0xb8;
	[tilespmem:$0x18080] =	vst v63  }
0x96: {  	v3 =	vadd.s32 v1, v3  }
0x97: {  	[hbm4b:s4+s2] =	stream.indirect_vreg.scatter [tilespmem:s14], [sflag:$0x1], $0x80, v4, vm0, $0xb8;
	[tilespmem:$0x18080] =	vst v63  }
0x98: {  	_ = 	snop  }
0x99: {  	[hbm4b:s5+s2] =	stream.indirect_vreg.scatter [tilespmem:s15], [sflag:$0x1], $0x80, v4, vm0, $0xb8;
	[tilespmem:$0x18080] =	vst v63  }
0x9a: {  	_ = 	snop  }
0x9b: {  	[hbm4b:s3+s2] =	stream.indirect_vreg.scatter [tilespmem:s16], [sflag:$0x1], $0x80, v3, vm0, $0xb8;
	[tilespmem:$0x18080] =	vst v63  }
0x9c: {  	_ = 	snop  }
0x9d: {  	[hbm4b:s4+s2] =	stream.indirect_vreg.scatter [tilespmem:s17], [sflag:$0x1], $0x80, v3, vm0, $0xb8;
	[tilespmem:$0x18080] =	vst v63  }
0x9e: {  	_ = 	snop  }
0x9f: {  	[hbm4b:s5+s2] =	stream.indirect_vreg.scatter [tilespmem:s18], [sflag:$0x1], $0x80, v3, vm0, $0xb8;
	[tilespmem:$0x18080] =	vst v63  }
0xa0: {  	v3 =	vld [tilespmem:$0x60];
	_ =	sdelay $0x4  }
0xa1: {  	v62 =	vshrl.u32 v3, $0x3  }
0xa2: {  	v4 =	vmul.u32 $0x30, v62  }
0xa3: {  	v3 =	vand.u32 $0x7, v3  }
0xa4: {  	v3 =	vor.u32 v3, v4  }
0xa5: {  	v4 =	vperm.xlane v3, v0;
	_ =	sdelay $0x1  }
0xa6: {  	v4 =	vadd.s32 v1, v4;
	_ =	sdelay $0x3  }
0xa7: {  	v3 =	vperm.xlane v3, v2  }
0xa8: {  	[hbm4b:s3+s2] =	stream.indirect_vreg.scatter [tilespmem:s19], [sflag:$0x1], $0x80, v4, vm0, $0xb8;
	[tilespmem:$0x18080] =	vst v63  }
0xa9: {  	v3 =	vadd.s32 v1, v3  }
0xaa: {  	[hbm4b:s4+s2] =	stream.indirect_vreg.scatter [tilespmem:s20], [sflag:$0x1], $0x80, v4, vm0, $0xb8;
	[tilespmem:$0x18080] =	vst v63  }
0xab: {  	_ = 	snop  }
0xac: {  	[hbm4b:s5+s2] =	stream.indirect_vreg.scatter [tilespmem:s21], [sflag:$0x1], $0x80, v4, vm0, $0xb8;
	[tilespmem:$0x18080] =	vst v63  }
0xad: {  	_ = 	snop  }
0xae: {  	[hbm4b:s3+s2] =	stream.indirect_vreg.scatter [tilespmem:s22], [sflag:$0x1], $0x80, v3, vm0, $0xb8;
	[tilespmem:$0x18080] =	vst v63  }
0xaf: {  	_ = 	snop  }
0xb0: {  	[hbm4b:s4+s2] =	stream.indirect_vreg.scatter [tilespmem:s23], [sflag:$0x1], $0x80, v3, vm0, $0xb8;
	[tilespmem:$0x18080] =	vst v63  }
0xb1: {  	_ = 	snop  }
0xb2: {  	[hbm4b:s5+s2] =	stream.indirect_vreg.scatter [tilespmem:s24], [sflag:$0x1], $0x80, v3, vm0, $0xb8;
	[tilespmem:$0x18080] =	vst v63  }
0xb3: {  	v3 =	vld [tilespmem:$0x70];
	_ =	sdelay $0x4  }
0xb4: {  	v63 =	vshrl.u32 v3, $0x3  }
0xb5: {  	v4 =	vmul.u32 $0x30, v63  }
0xb6: {  	v3 =	vand.u32 $0x7, v3  }
0xb7: {  	v3 =	vor.u32 v3, v4  }
0xb8: {  	v4 =	vperm.xlane v3, v0;
	_ =	sdelay $0x1  }
0xb9: {  	v4 =	vadd.s32 v1, v4;
	_ =	sdelay $0x3  }
0xba: {  	v3 =	vperm.xlane v3, v2  }
0xbb: {  	[hbm4b:s3+s2] =	stream.indirect_vreg.scatter [tilespmem:s25], [sflag:$0x1], $0x80, v4, vm0, $0xb8;
	[tilespmem:$0x18080] =	vst v63  }
0xbc: {  	v3 =	vadd.s32 v1, v3  }
0xbd: {  	[hbm4b:s4+s2] =	stream.indirect_vreg.scatter [tilespmem:s26], [sflag:$0x1], $0x80, v4, vm0, $0xb8;
	[tilespmem:$0x18080] =	vst v63  }
0xbe: {  	_ = 	snop  }
0xbf: {  	[hbm4b:s5+s2] =	stream.indirect_vreg.scatter [tilespmem:s28], [sflag:$0x1], $0x80, v4, vm0, $0xb8;
	[tilespmem:$0x18080] =	vst v63  }
0xc0: {  	_ = 	snop  }
0xc1: {  	[hbm4b:s3+s2] =	stream.indirect_vreg.scatter [tilespmem:s29], [sflag:$0x1], $0x80, v3, vm0, $0xb8;
	[tilespmem:$0x18080] =	vst v63  }
0xc2: {  	p0 =	sne.s32 s6, $0x1  }
0xc3: {  	[hbm4b:s4+s2] =	stream.indirect_vreg.scatter [tilespmem:s30], [sflag:$0x1], $0x80, v3, vm0, $0xb8;
	[tilespmem:$0x18080] =	vst v63  }
.Ltmp0:
0xc4: {  	_ = 	snop;
	(pc) =	sbr.rel @p0 .LBB2_1-.Ltmp0, $4  }
0xc5: {  	[hbm4b:s5+s2] =	stream.indirect_vreg.scatter [tilespmem:s31], [sflag:$0x1], $0x80, v3, vm0, $0xb8;
	[tilespmem:$0x18080] =	vst v63  }
0xc6: {  	_ =	swait.ge [sflag:s1], $0x18000  }
0xc7: {  	[sflag:s1] =	ssyncset.done $0x0  }
0xc8: {  	s6 =	sadd.s32 $0xFFFFFFFF, s6;
	[sflag:s1] =	ssyncadd.s32 $0xFFFE8000  }
0xc9: {  	_ =	sfence.sel $0x180000  }
0xca: {  	[bflag:$0x0] =	sbarrier.arrive $0xFFFF  }
0xcb: {  	_ =	strace $0x90000047  }
0xcc: {  	s0 =	stileid.u32;
	[bflag:$0x2] =	sbarrier.arrive $0xFFFF  }
0xcd: {  	p0 =	sne.s32 s0, $0x0;
	s0 =	rddreg [dreg:$0x2]  }
0xce: {  	s0 =	sadd.s32 @!p0 $0x100000, s0  }
0xcf: {  	[sflag:s0] =	ssyncadd.tile.s32 @!p0 $0x1;
	_ =	shalt  }
.Lfunc_end2:
_tile_overlayer_lowered:
.L_overlay_start_2:
0xd0: {  	(tag) =	ssettag $0x2  }
0xd1: {  	s0 =	rddreg [dreg:$0x0];
	s2 =	stileid.u32  }
0xd2: {  	s1 =	rddreg [dreg:$0x1];
	p0 =	sne.s32 s2, $0x0  }
0xd3: {  	s3 =	rddreg [dreg:$0x2];
	[bflag:$0x3] =	sbarrier.arrive $0xFFFF;
	s2 =	simm.s32 @!p0 $0x1C02  }
0xd4: {  	[timem:s3], [sflag:s2] =	dma.local @!p0 [hbm:s0], s1  }
0xd5: {  	s0 =	simm.s32 @!p0 $0x2  }
0xd6: {  	_ =	swait.ge @!p0 [sflag:s0], s1  }
0xd7: {  	s1 =	ssub.s32 @!p0 $0x0, s1;
	[sflag:s0] =	ssyncset.done @!p0 $0x0  }
0xd8: {  	[sflag:s0] =	ssyncadd.s32 @!p0 s1  }
0xd9: {  	[bflag:$0x3] =	sbarrier.arrive $0xFFFF  }
0xda: {  	_ =	shalt  }

</sc_bundles>
